<compile_context>
chip_gen: v7x
topology: tpu7x:2x2x1
jax: 0.10.2.dev20260603
libtpu: 0.0.44.dev20260713+nightly
codegen_flags: <defaults>
</compile_context>

<pallas_src>
import functools

import jax
import jax.numpy as jnp
from jax import lax
from jax.experimental import pallas as pl
from jax.experimental.pallas import tpu as pltpu
from jax.experimental.pallas import tpu_sc as plsc

B = 1024
AD = 512
NF = 64
NLB = 128
NACT = 256
HID = 1024
IN1 = NLB + AD * NF + AD
RW1 = IN1 // NF

NW = 32
SPW = B // NW

NM = NF
NK = NM + 2


def _sc_counts(active_as):
    mesh = plsc.VectorSubcoreMesh(core_axis_name="c", subcore_axis_name="s")

    @functools.partial(
        pl.kernel,
        out_type=jax.ShapeDtypeStruct((B, AD), jnp.float32),
        mesh=mesh,
        compiler_params=pltpu.CompilerParams(needs_layout_passes=False,
                                             use_tc_tiling_on_sc=False),
        scratch_types=[
            pltpu.VMEM((SPW, NACT), jnp.int32),
            pltpu.VMEM((SPW, AD), jnp.float32),
        ],
    )
    def k(act_hbm, cnt_hbm, act_v, cnt_v):
        wid = lax.axis_index("s") * 2 + lax.axis_index("c")
        base = wid * SPW
        pltpu.sync_copy(act_hbm.at[pl.ds(base, SPW)], act_v)
        zeros16 = jnp.zeros((16,), jnp.float32)
        ones16 = jnp.ones((16,), jnp.float32)

        def zero_body(s, _):
            for v in range(AD // 16):
                cnt_v[s, pl.ds(v * 16, 16)] = zeros16
            return 0

        lax.fori_loop(0, SPW, zero_body, 0)

        def scat_body(s, _):
            svec = jnp.full((16,), s, jnp.int32)
            for v in range(NACT // 16):
                idx = act_v[s, pl.ds(v * 16, 16)]
                plsc.addupdate_scatter(cnt_v, [svec, idx], ones16)
            return 0

        lax.fori_loop(0, SPW, scat_body, 0)
        pltpu.sync_copy(cnt_v, cnt_hbm.at[pl.ds(base, SPW)])

    return k(active_as)


def _stats_body(c_ref, ft3, flb_ref, r1_ref, r2_ref, lb_ref, ftbuf, sems):
    q = pl.program_id(0)

    def ft_copy(qq, slot):
        return pltpu.make_async_copy(ft3.at[:, pl.ds(qq, 1), :],
                                     ftbuf.at[slot], sems.at[slot])

    @pl.when(q == 0)
    def _():
        for s in range(4):
            ft_copy(s, s).start()

    slot = lax.rem(q, 4)
    ft_copy(q, slot).wait()
    fb = ftbuf[slot].reshape(B, AD)
    cb = c_ref[...]
    t = cb * fb
    ones = jnp.ones((1, B), jnp.float32)
    dn = (((1,), (0,)), ((), ()))
    r1_ref[0] = lax.dot_general(ones, t, dn,
                                preferred_element_type=jnp.float32)
    r2_ref[0] = lax.dot_general(ones, t * fb, dn,
                                preferred_element_type=jnp.float32)

    @pl.when(q <= NF - 5)
    def _():
        ft_copy(q + 4, slot).start()

    @pl.when(q == NF - 1)
    def _():
        flb = flb_ref[...]
        lb_ref[0:1, :] = jnp.sum(flb, axis=0, keepdims=True)
        lb_ref[1:2, :] = jnp.sum(flb * flb, axis=0, keepdims=True)


def _stats_call(c2d, ft3, flb):
    return pl.pallas_call(
        _stats_body,
        grid=(NF,),
        in_specs=[
            pl.BlockSpec((B, AD), lambda q: (0, 0)),
            pl.BlockSpec(memory_space=pl.ANY),
            pl.BlockSpec((B, NLB), lambda q: (0, 0)),
        ],
        out_specs=[
            pl.BlockSpec((1, 1, AD), lambda q: (q, 0, 0)),
            pl.BlockSpec((1, 1, AD), lambda q: (q, 0, 0)),
            pl.BlockSpec((2, NLB), lambda q: (0, 0)),
        ],
        out_shape=[
            jax.ShapeDtypeStruct((NF, 1, AD), jnp.float32),
            jax.ShapeDtypeStruct((NF, 1, AD), jnp.float32),
            jax.ShapeDtypeStruct((2, NLB), jnp.float32),
        ],
        scratch_shapes=[
            pltpu.VMEM((4, B, 1, AD), jnp.float32),
            pltpu.SemaphoreType.DMA((4,)),
        ],
    )(c2d, ft3, flb)


def _mm_body(asm, bsm, ft3, m, flb, act, alb, blb, ahd, bhd, b1r, lnw, lnb,
             w4, b4r, w1r, out_ref, acc, wbuf, ftbuf, wlb, wact, sems,
             ftsems, semlb, semact):
    k = pl.program_id(0)
    dn = (((1,), (0,)), ((), ()))

    def wk_copy(g, slot):
        return pltpu.make_async_copy(
            w1r.at[pl.ds(2, AD), pl.ds(g, 1), :], wbuf.at[slot],
            sems.at[slot])

    def ft_copy(g, slot):
        return pltpu.make_async_copy(ft3.at[:, pl.ds(g, 1), :],
                                     ftbuf.at[slot], ftsems.at[slot])

    @pl.when(k == 0)
    def _():
        acc[...] = jnp.zeros((B, HID), jnp.float32)
        for s in range(4):
            wk_copy(s, s).start()
            ft_copy(s, s).start()
        pltpu.make_async_copy(w1r.at[pl.ds(0, 2), :, :], wlb, semlb).start()
        pltpu.make_async_copy(w1r.at[pl.ds(RW1 - 8, 8), :, :], wact,
                              semact).start()

    @pl.when(k <= NM - 1)
    def _():
        slot = lax.rem(k, 4)
        wk_copy(k, slot).wait()
        ft_copy(k, slot).wait()
        a = asm[k]
        b = bsm[k]
        x = m[...] * (ftbuf[slot].reshape(B, AD) * a + b)
        wv = wbuf[slot].reshape(AD, HID)
        acc[...] += lax.dot_general(x, wv, dn,
                                    preferred_element_type=jnp.float32)

        @pl.when(k <= NM - 5)
        def _():
            wk_copy(k + 4, slot).start()
            ft_copy(k + 4, slot).start()

    @pl.when(k == NM)
    def _():
        pltpu.make_async_copy(w1r.at[pl.ds(0, 2), :, :], wlb, semlb).wait()
        x0 = jnp.concatenate(
            [flb[:, NF:] * alb[...] + blb[...],
             flb[:, :NF] * ahd[...] + bhd[...]], axis=1)
        wv = wlb[...].reshape(NLB, HID)
        acc[...] += lax.dot_general(x0, wv, dn,
                                    preferred_element_type=jnp.float32)

    @pl.when(k == NK - 1)
    def _():
        pltpu.make_async_copy(w1r.at[pl.ds(RW1 - 8, 8), :, :], wact,
                              semact).wait()
        wv = wact[...].reshape(AD, HID)
        acc[...] += lax.dot_general(act[...], wv, dn,
                                    preferred_element_type=jnp.float32)
        h = acc[...] + b1r[...]
        h = jnp.where(h > 0, h, jnp.exp(jnp.minimum(h, 0.0)) - 1.0)
        mu = jnp.mean(h, axis=1, keepdims=True)
        hc = h - mu
        var = jnp.mean(hc * hc, axis=1, keepdims=True)
        hn = hc * lax.rsqrt(var + 1e-5) * lnw[...] + lnb[...]
        out_ref[...] = lax.dot_general(
            hn, w4[...], dn,
            preferred_element_type=jnp.float32) + b4r[...]


def _mm_call(alpha, beta, ft3, m, flb, act, alb, blb, ahd, bhd, b1r, lnw,
             lnb, W4, b4r, W1r):
    def full(shape):
        return pl.BlockSpec(shape, lambda k: tuple(0 for _ in shape))

    return pl.pallas_call(
        _mm_body,
        grid=(NK,),
        in_specs=[
            pl.BlockSpec(memory_space=pltpu.SMEM),
            pl.BlockSpec(memory_space=pltpu.SMEM),
            pl.BlockSpec(memory_space=pl.ANY),
            full((B, AD)),
            full((B, NLB)),
            full((B, AD)),
            full((1, NF)),
            full((1, NF)),
            full((1, NF)),
            full((1, NF)),
            full((1, HID)),
            full((1, HID)),
            full((1, HID)),
            full((HID, AD)),
            full((1, AD)),
            pl.BlockSpec(memory_space=pl.ANY),
        ],
        out_specs=pl.BlockSpec((B, AD), lambda k: (0, 0)),
        out_shape=jax.ShapeDtypeStruct((B, AD), jnp.float32),
        scratch_shapes=[
            pltpu.VMEM((B, HID), jnp.float32),
            pltpu.VMEM((4, AD, 1, HID), jnp.float32),
            pltpu.VMEM((4, B, 1, AD), jnp.float32),
            pltpu.VMEM((2, NF, HID), jnp.float32),
            pltpu.VMEM((8, NF, HID), jnp.float32),
            pltpu.SemaphoreType.DMA((4,)),
            pltpu.SemaphoreType.DMA((4,)),
            pltpu.SemaphoreType.DMA,
            pltpu.SemaphoreType.DMA,
        ],
    )(alpha, beta, ft3, m, flb, act, alb, blb, ahd, bhd, b1r, lnw, lnb,
      W4, b4r, W1r)


def kernel(feature_lb, feature_as, action, active_as, bn_as_w, bn_as_b,
           bn_lb_w, bn_lb_b, W1, b1, ln1_w, ln1_b, W4, b4):
    c2d = _sc_counts(active_as)

    ft3 = jnp.transpose(feature_as, (0, 2, 1))
    r1, r2, lbs = _stats_call(c2d, ft3, feature_lb)

    S1 = jnp.sum(r1.reshape(NF, AD), axis=1)
    S2 = jnp.sum(r2.reshape(NF, AD), axis=1)
    n_as = jnp.float32(B + B * NACT)
    mean_as = (S1 + lbs[0, :NF]) / n_as
    var_as = (S2 + lbs[1, :NF]) / n_as - mean_as * mean_as
    alpha_as = bn_as_w * lax.rsqrt(var_as + 1e-5)
    beta_as = bn_as_b - mean_as * alpha_as

    mean_lb = lbs[0, NF:] / B
    var_lb = lbs[1, NF:] / B - mean_lb * mean_lb
    alpha_lb = bn_lb_w * lax.rsqrt(var_lb + 1e-5)
    beta_lb = bn_lb_b - mean_lb * alpha_lb

    m = jnp.minimum(c2d, 1.0)
    W1r = W1.reshape(RW1, NF, HID)

    return _mm_call(alpha_as, beta_as, ft3, m, feature_lb, action,
                    alpha_lb[None, :], beta_lb[None, :], alpha_as[None, :],
                    beta_as[None, :], b1[None, :], ln1_w[None, :],
                    ln1_b[None, :], W4, b4[None, :], W1r)

# --- scband reference (transcript-rebuilt; emitter-appended) ---
"""Pipeline reference for scband-dqn-10720238370990 (READ-ONLY COPY).

The authoritative reference and input builder live on the scoring server;
editing this copy changes nothing except your own understanding.
"""

import jax, jax.numpy as jnp
import numpy as np

B = 1024
ACTION_DIM = 512
N_FEAT_AS = 64
N_FEAT_LB = 128
N_ACTIVE = 256
HIDDEN = 1024
STATE_DIM = N_FEAT_LB + ACTION_DIM * N_FEAT_AS
IN1 = STATE_DIM + ACTION_DIM


def _bn(x, w, b):
    m = x.mean(0)
    v = x.var(0)
    return (x - m) / jnp.sqrt(v + 1e-5) * w + b


def _ln(x, w, b):
    m = x.mean(-1, keepdims=True)
    v = ((x - m) ** 2).mean(-1, keepdims=True)
    return (x - m) / jnp.sqrt(v + 1e-5) * w + b


def setup_inputs(seed: int = 0):
    key = jax.random.key(seed)
    ks = jax.random.split(key, 8)
    feature_lb = jax.random.normal(ks[0], (B, N_FEAT_LB), dtype=jnp.float32)
    feature_as = jax.random.normal(ks[1], (B, ACTION_DIM, N_FEAT_AS), dtype=jnp.float32)
    active_as = jax.random.randint(ks[2], (B, N_ACTIVE), 0, ACTION_DIM)
    action = jax.random.normal(ks[3], (B, ACTION_DIM), dtype=jnp.float32)
    bn_as_w = jnp.ones((N_FEAT_AS,), jnp.float32)
    bn_as_b = jnp.zeros((N_FEAT_AS,), jnp.float32)
    bn_lb_w = jnp.ones((N_FEAT_LB - N_FEAT_AS,), jnp.float32)
    bn_lb_b = jnp.zeros((N_FEAT_LB - N_FEAT_AS,), jnp.float32)
    W1 = jax.random.normal(ks[4], (IN1, HIDDEN), dtype=jnp.float32) * (1.0 / np.sqrt(IN1))
    b1 = jnp.zeros((HIDDEN,), jnp.float32)
    ln1_w = jnp.ones((HIDDEN,), jnp.float32)
    ln1_b = jnp.zeros((HIDDEN,), jnp.float32)
    W4 = jax.random.uniform(ks[5], (HIDDEN, ACTION_DIM), jnp.float32, -0.003, 0.003)
    b4 = jax.random.uniform(ks[6], (ACTION_DIM,), jnp.float32, -0.003, 0.003)
    return {"feature_lb": feature_lb, "feature_as": feature_as, "action": action,
            "active_as": active_as, "bn_as_w": bn_as_w, "bn_as_b": bn_as_b,
            "bn_lb_w": bn_lb_w, "bn_lb_b": bn_lb_b, "W1": W1, "b1": b1,
            "ln1_w": ln1_w, "ln1_b": ln1_b, "W4": W4, "b4": b4}


def reference(feature_lb, feature_as, action, active_as, bn_as_w, bn_as_b,
              bn_lb_w, bn_lb_b, W1, b1, ln1_w, ln1_b, W4, b4):
    n_batch = feature_lb.shape[0]
    # local LB features batch-normed
    obs_lb = _bn(feature_lb[:, N_FEAT_AS:], bn_lb_w, bn_lb_b)
    # ragged per-sample gather of active AS rows: feature_as[i, active_as_i, :]
    gathered = jnp.take_along_axis(feature_as, active_as[:, :, None], axis=1)
    cat_in = jnp.concatenate([feature_lb[:, :N_FEAT_AS],
                              gathered.reshape(-1, N_FEAT_AS)], axis=0)
    obs_as = _bn(cat_in, bn_as_w, bn_as_b)
    # scatter normalized AS rows back into dense [B, action_dim, n_feature_as] buffer
    rest = obs_as[n_batch:].reshape(n_batch, N_ACTIVE, N_FEAT_AS)
    bidx = jnp.arange(n_batch)[:, None]
    buf = jnp.zeros((n_batch, ACTION_DIM, N_FEAT_AS), jnp.float32)
    buf = buf.at[bidx, active_as].set(rest)
    x = jnp.concatenate([obs_lb, obs_as[:n_batch],
                         buf.reshape(n_batch, -1), action], axis=1)
    x = jax.nn.elu(x @ W1 + b1)
    x = _ln(x, ln1_w, ln1_b)
    return x @ W4 + b4

if __name__ == "__main__":
    import jax
    _d = setup_inputs()
    print(jax.jit(kernel)(*tuple(_d.values())))

</pallas_src>

<mosaic_0001>
#map = affine_map<(d0, d1) -> (0, 0)>
module attributes {stable_mosaic.version = 14 : i64} {
  func.func @k(%arg0: i32, %arg1: i32, %arg2: memref<1024x256xi32, #tpu.memory_space<hbm>>, %arg3: memref<1024x512xf32, #tpu.memory_space<hbm>>, %arg4: memref<32x256xi32, #tpu.memory_space<vmem>>, %arg5: memref<32x512xf32, #tpu.memory_space<vmem>>) attributes {dimension_semantics = [#tpu.dimension_semantics<core_parallel>, #tpu.dimension_semantics<subcore_parallel>], iteration_bounds = array<i64: 2, 16>, scalar_prefetch = 0 : i64, scratch_operands = 2 : i64, tpu.core_type = #tpu.core_type<sc_vector_subcore>, window_params = [{transform_indices = #map}, {transform_indices = #map}]} {
    %mul3A = arith.constant 2 : i32
    %mul3A_0 = arith.muli %arg1, %mul3A : i32
    %add3A = arith.addi %mul3A_0, %arg0 : i32
    %mul3A_1 = arith.constant 32 : i32
    %mul3A_2 = arith.muli %add3A, %mul3A_1 : i32
    "tpu.region"() ({
      %run_scoped3A = tpu.sem_alloc : memref<!tpu.dma_semaphore, #tpu.memory_space<semaphore_mem>>
      %dma_start3A = arith.constant 0 : i32
      %dma_start3A_19 = tpu.memref_slice %arg2[%mul3A_2, %dma_start3A] : memref<1024x256xi32, #tpu.memory_space<hbm>> -> memref<32x256xi32, #tpu.memory_space<hbm>>
      %dma_start3A_20 = arith.constant 0 : i32
      %dma_start3A_21 = tpu.memref_slice %arg2[%mul3A_2, %dma_start3A_20] : memref<1024x256xi32, #tpu.memory_space<hbm>> -> memref<32x256xi32, #tpu.memory_space<hbm>>
      tpu.enqueue_dma source(%dma_start3A_21 : memref<32x256xi32, #tpu.memory_space<hbm>>) target(%arg4 : memref<32x256xi32, #tpu.memory_space<vmem>>) target_semaphore(%run_scoped3A : memref<!tpu.dma_semaphore, #tpu.memory_space<semaphore_mem>>)
      %dma_wait3A = arith.constant 0 : i32
      %dma_wait3A_22 = tpu.memref_slice %arg2[%mul3A_2, %dma_wait3A] : memref<1024x256xi32, #tpu.memory_space<hbm>> -> memref<32x256xi32, #tpu.memory_space<hbm>>
      %dma_wait3A_23 = arith.constant 0 : i32
      %dma_wait3A_24 = tpu.memref_slice %arg2[%mul3A_2, %dma_wait3A_23] : memref<1024x256xi32, #tpu.memory_space<hbm>> -> memref<32x256xi32, #tpu.memory_space<hbm>>
      tpu.wait_dma2 semaphore(%run_scoped3A : memref<!tpu.dma_semaphore, #tpu.memory_space<semaphore_mem>>) src(%dma_wait3A_24 : memref<32x256xi32, #tpu.memory_space<hbm>>) dst(%arg4 : memref<32x256xi32, #tpu.memory_space<vmem>>)
      tpu.yield
    }) : () -> ()
    %broadcast_in_dim3A = arith.constant 0.000000e+00 : f32
    %broadcast_in_dim3A_3 = vector.broadcast %broadcast_in_dim3A : f32 to vector<16xf32>
    %broadcast_in_dim3A_4 = arith.constant 1.000000e+00 : f32
    %broadcast_in_dim3A_5 = vector.broadcast %broadcast_in_dim3A_4 : f32 to vector<16xf32>
    %scan3A = arith.constant 0 : i32
    %scan3A_6 = arith.constant 0 : i32
    %scan3A_7 = arith.constant 32 : i32
    %scan3A_8 = arith.addi %scan3A_6, %scan3A_7 : i32
    %scan3A_9 = arith.constant 1 : i32
    %scan3A_10 = scf.for %scan3A_19 = %scan3A_6 to %scan3A_8 step %scan3A_9 iter_args(%scan3A_20 = %scan3A) -> (i32)  : i32 {
      %swap3A = arith.index_cast %scan3A_19 : i32 to index
      %swap3A_21 = arith.constant 0 : index
      %swap3A_22 = tpu.vector_load %arg5[%swap3A, %swap3A_21] {strides = array<i32>} : memref<32x512xf32, #tpu.memory_space<vmem>>, vector<16xf32>,
      tpu.vector_store %arg5[%swap3A, %swap3A_21], %broadcast_in_dim3A_3 {strides = array<i32>} : memref<32x512xf32, #tpu.memory_space<vmem>>, vector<16xf32>,
      %swap3A_23 = arith.index_cast %scan3A_19 : i32 to index
      %swap3A_24 = arith.constant 16 : index
      %swap3A_25 = tpu.vector_load %arg5[%swap3A_23, %swap3A_24] {strides = array<i32>} : memref<32x512xf32, #tpu.memory_space<vmem>>, vector<16xf32>,
      tpu.vector_store %arg5[%swap3A_23, %swap3A_24], %broadcast_in_dim3A_3 {strides = array<i32>} : memref<32x512xf32, #tpu.memory_space<vmem>>, vector<16xf32>,
      %swap3A_26 = arith.index_cast %scan3A_19 : i32 to index
      %swap3A_27 = arith.constant 32 : index
      %swap3A_28 = tpu.vector_load %arg5[%swap3A_26, %swap3A_27] {strides = array<i32>} : memref<32x512xf32, #tpu.memory_space<vmem>>, vector<16xf32>,
      tpu.vector_store %arg5[%swap3A_26, %swap3A_27], %broadcast_in_dim3A_3 {strides = array<i32>} : memref<32x512xf32, #tpu.memory_space<vmem>>, vector<16xf32>,
      %swap3A_29 = arith.index_cast %scan3A_19 : i32 to index
      %swap3A_30 = arith.constant 48 : index
      %swap3A_31 = tpu.vector_load %arg5[%swap3A_29, %swap3A_30] {strides = array<i32>} : memref<32x512xf32, #tpu.memory_space<vmem>>, vector<16xf32>,
      tpu.vector_store %arg5[%swap3A_29, %swap3A_30], %broadcast_in_dim3A_3 {strides = array<i32>} : memref<32x512xf32, #tpu.memory_space<vmem>>, vector<16xf32>,
      %swap3A_32 = arith.index_cast %scan3A_19 : i32 to index
      %swap3A_33 = arith.constant 64 : index
      %swap3A_34 = tpu.vector_load %arg5[%swap3A_32, %swap3A_33] {strides = array<i32>} : memref<32x512xf32, #tpu.memory_space<vmem>>, vector<16xf32>,
      tpu.vector_store %arg5[%swap3A_32, %swap3A_33], %broadcast_in_dim3A_3 {strides = array<i32>} : memref<32x512xf32, #tpu.memory_space<vmem>>, vector<16xf32>,
      %swap3A_35 = arith.index_cast %scan3A_19 : i32 to index
      %swap3A_36 = arith.constant 80 : index
      %swap3A_37 = tpu.vector_load %arg5[%swap3A_35, %swap3A_36] {strides = array<i32>} : memref<32x512xf32, #tpu.memory_space<vmem>>, vector<16xf32>,
      tpu.vector_store %arg5[%swap3A_35, %swap3A_36], %broadcast_in_dim3A_3 {strides = array<i32>} : memref<32x512xf32, #tpu.memory_space<vmem>>, vector<16xf32>,
      %swap3A_38 = arith.index_cast %scan3A_19 : i32 to index
      %swap3A_39 = arith.constant 96 : index
      %swap3A_40 = tpu.vector_load %arg5[%swap3A_38, %swap3A_39] {strides = array<i32>} : memref<32x512xf32, #tpu.memory_space<vmem>>, vector<16xf32>,
      tpu.vector_store %arg5[%swap3A_38, %swap3A_39], %broadcast_in_dim3A_3 {strides = array<i32>} : memref<32x512xf32, #tpu.memory_space<vmem>>, vector<16xf32>,
      %swap3A_41 = arith.index_cast %scan3A_19 : i32 to index
      %swap3A_42 = arith.constant 112 : index
      %swap3A_43 = tpu.vector_load %arg5[%swap3A_41, %swap3A_42] {strides = array<i32>} : memref<32x512xf32, #tpu.memory_space<vmem>>, vector<16xf32>,
      tpu.vector_store %arg5[%swap3A_41, %swap3A_42], %broadcast_in_dim3A_3 {strides = array<i32>} : memref<32x512xf32, #tpu.memory_space<vmem>>, vector<16xf32>,
      %swap3A_44 = arith.index_cast %scan3A_19 : i32 to index
      %swap3A_45 = arith.constant 128 : index
      %swap3A_46 = tpu.vector_load %arg5[%swap3A_44, %swap3A_45] {strides = array<i32>} : memref<32x512xf32, #tpu.memory_space<vmem>>, vector<16xf32>,
      tpu.vector_store %arg5[%swap3A_44, %swap3A_45], %broadcast_in_dim3A_3 {strides = array<i32>} : memref<32x512xf32, #tpu.memory_space<vmem>>, vector<16xf32>,
      %swap3A_47 = arith.index_cast %scan3A_19 : i32 to index
      %swap3A_48 = arith.constant 144 : index
      %swap3A_49 = tpu.vector_load %arg5[%swap3A_47, %swap3A_48] {strides = array<i32>} : memref<32x512xf32, #tpu.memory_space<vmem>>, vector<16xf32>,
      tpu.vector_store %arg5[%swap3A_47, %swap3A_48], %broadcast_in_dim3A_3 {strides = array<i32>} : memref<32x512xf32, #tpu.memory_space<vmem>>, vector<16xf32>,
      %swap3A_50 = arith.index_cast %scan3A_19 : i32 to index
      %swap3A_51 = arith.constant 160 : index
      %swap3A_52 = tpu.vector_load %arg5[%swap3A_50, %swap3A_51] {strides = array<i32>} : memref<32x512xf32, #tpu.memory_space<vmem>>, vector<16xf32>,
      tpu.vector_store %arg5[%swap3A_50, %swap3A_51], %broadcast_in_dim3A_3 {strides = array<i32>} : memref<32x512xf32, #tpu.memory_space<vmem>>, vector<16xf32>,
      %swap3A_53 = arith.index_cast %scan3A_19 : i32 to index
      %swap3A_54 = arith.constant 176 : index
      %swap3A_55 = tpu.vector_load %arg5[%swap3A_53, %swap3A_54] {strides = array<i32>} : memref<32x512xf32, #tpu.memory_space<vmem>>, vector<16xf32>,
      tpu.vector_store %arg5[%swap3A_53, %swap3A_54], %broadcast_in_dim3A_3 {strides = array<i32>} : memref<32x512xf32, #tpu.memory_space<vmem>>, vector<16xf32>,
      %swap3A_56 = arith.index_cast %scan3A_19 : i32 to index
      %swap3A_57 = arith.constant 192 : index
      %swap3A_58 = tpu.vector_load %arg5[%swap3A_56, %swap3A_57] {strides = array<i32>} : memref<32x512xf32, #tpu.memory_space<vmem>>, vector<16xf32>,
      tpu.vector_store %arg5[%swap3A_56, %swap3A_57], %broadcast_in_dim3A_3 {strides = array<i32>} : memref<32x512xf32, #tpu.memory_space<vmem>>, vector<16xf32>,
      %swap3A_59 = arith.index_cast %scan3A_19 : i32 to index
      %swap3A_60 = arith.constant 208 : index
      %swap3A_61 = tpu.vector_load %arg5[%swap3A_59, %swap3A_60] {strides = array<i32>} : memref<32x512xf32, #tpu.memory_space<vmem>>, vector<16xf32>,
      tpu.vector_store %arg5[%swap3A_59, %swap3A_60], %broadcast_in_dim3A_3 {strides = array<i32>} : memref<32x512xf32, #tpu.memory_space<vmem>>, vector<16xf32>,
      %swap3A_62 = arith.index_cast %scan3A_19 : i32 to index
      %swap3A_63 = arith.constant 224 : index
      %swap3A_64 = tpu.vector_load %arg5[%swap3A_62, %swap3A_63] {strides = array<i32>} : memref<32x512xf32, #tpu.memory_space<vmem>>, vector<16xf32>,
      tpu.vector_store %arg5[%swap3A_62, %swap3A_63], %broadcast_in_dim3A_3 {strides = array<i32>} : memref<32x512xf32, #tpu.memory_space<vmem>>, vector<16xf32>,
      %swap3A_65 = arith.index_cast %scan3A_19 : i32 to index
      %swap3A_66 = arith.constant 240 : index
      %swap3A_67 = tpu.vector_load %arg5[%swap3A_65, %swap3A_66] {strides = array<i32>} : memref<32x512xf32, #tpu.memory_space<vmem>>, vector<16xf32>,
      tpu.vector_store %arg5[%swap3A_65, %swap3A_66], %broadcast_in_dim3A_3 {strides = array<i32>} : memref<32x512xf32, #tpu.memory_space<vmem>>, vector<16xf32>,
      %swap3A_68 = arith.index_cast %scan3A_19 : i32 to index
      %swap3A_69 = arith.constant 256 : index
      %swap3A_70 = tpu.vector_load %arg5[%swap3A_68, %swap3A_69] {strides = array<i32>} : memref<32x512xf32, #tpu.memory_space<vmem>>, vector<16xf32>,
      tpu.vector_store %arg5[%swap3A_68, %swap3A_69], %broadcast_in_dim3A_3 {strides = array<i32>} : memref<32x512xf32, #tpu.memory_space<vmem>>, vector<16xf32>,
      %swap3A_71 = arith.index_cast %scan3A_19 : i32 to index
      %swap3A_72 = arith.constant 272 : index
      %swap3A_73 = tpu.vector_load %arg5[%swap3A_71, %swap3A_72] {strides = array<i32>} : memref<32x512xf32, #tpu.memory_space<vmem>>, vector<16xf32>,
      tpu.vector_store %arg5[%swap3A_71, %swap3A_72], %broadcast_in_dim3A_3 {strides = array<i32>} : memref<32x512xf32, #tpu.memory_space<vmem>>, vector<16xf32>,
      %swap3A_74 = arith.index_cast %scan3A_19 : i32 to index
      %swap3A_75 = arith.constant 288 : index
      %swap3A_76 = tpu.vector_load %arg5[%swap3A_74, %swap3A_75] {strides = array<i32>} : memref<32x512xf32, #tpu.memory_space<vmem>>, vector<16xf32>,
      tpu.vector_store %arg5[%swap3A_74, %swap3A_75], %broadcast_in_dim3A_3 {strides = array<i32>} : memref<32x512xf32, #tpu.memory_space<vmem>>, vector<16xf32>,
      %swap3A_77 = arith.index_cast %scan3A_19 : i32 to index
      %swap3A_78 = arith.constant 304 : index
      %swap3A_79 = tpu.vector_load %arg5[%swap3A_77, %swap3A_78] {strides = array<i32>} : memref<32x512xf32, #tpu.memory_space<vmem>>, vector<16xf32>,
      tpu.vector_store %arg5[%swap3A_77, %swap3A_78], %broadcast_in_dim3A_3 {strides = array<i32>} : memref<32x512xf32, #tpu.memory_space<vmem>>, vector<16xf32>,
      %swap3A_80 = arith.index_cast %scan3A_19 : i32 to index
      %swap3A_81 = arith.constant 320 : index
      %swap3A_82 = tpu.vector_load %arg5[%swap3A_80, %swap3A_81] {strides = array<i32>} : memref<32x512xf32, #tpu.memory_space<vmem>>, vector<16xf32>,
      tpu.vector_store %arg5[%swap3A_80, %swap3A_81], %broadcast_in_dim3A_3 {strides = array<i32>} : memref<32x512xf32, #tpu.memory_space<vmem>>, vector<16xf32>,
      %swap3A_83 = arith.index_cast %scan3A_19 : i32 to index
      %swap3A_84 = arith.constant 336 : index
      %swap3A_85 = tpu.vector_load %arg5[%swap3A_83, %swap3A_84] {strides = array<i32>} : memref<32x512xf32, #tpu.memory_space<vmem>>, vector<16xf32>,
      tpu.vector_store %arg5[%swap3A_83, %swap3A_84], %broadcast_in_dim3A_3 {strides = array<i32>} : memref<32x512xf32, #tpu.memory_space<vmem>>, vector<16xf32>,
      %swap3A_86 = arith.index_cast %scan3A_19 : i32 to index
      %swap3A_87 = arith.constant 352 : index
      %swap3A_88 = tpu.vector_load %arg5[%swap3A_86, %swap3A_87] {strides = array<i32>} : memref<32x512xf32, #tpu.memory_space<vmem>>, vector<16xf32>,
      tpu.vector_store %arg5[%swap3A_86, %swap3A_87], %broadcast_in_dim3A_3 {strides = array<i32>} : memref<32x512xf32, #tpu.memory_space<vmem>>, vector<16xf32>,
      %swap3A_89 = arith.index_cast %scan3A_19 : i32 to index
      %swap3A_90 = arith.constant 368 : index
      %swap3A_91 = tpu.vector_load %arg5[%swap3A_89, %swap3A_90] {strides = array<i32>} : memref<32x512xf32, #tpu.memory_space<vmem>>, vector<16xf32>,
      tpu.vector_store %arg5[%swap3A_89, %swap3A_90], %broadcast_in_dim3A_3 {strides = array<i32>} : memref<32x512xf32, #tpu.memory_space<vmem>>, vector<16xf32>,
      %swap3A_92 = arith.index_cast %scan3A_19 : i32 to index
      %swap3A_93 = arith.constant 384 : index
      %swap3A_94 = tpu.vector_load %arg5[%swap3A_92, %swap3A_93] {strides = array<i32>} : memref<32x512xf32, #tpu.memory_space<vmem>>, vector<16xf32>,
      tpu.vector_store %arg5[%swap3A_92, %swap3A_93], %broadcast_in_dim3A_3 {strides = array<i32>} : memref<32x512xf32, #tpu.memory_space<vmem>>, vector<16xf32>,
      %swap3A_95 = arith.index_cast %scan3A_19 : i32 to index
      %swap3A_96 = arith.constant 400 : index
      %swap3A_97 = tpu.vector_load %arg5[%swap3A_95, %swap3A_96] {strides = array<i32>} : memref<32x512xf32, #tpu.memory_space<vmem>>, vector<16xf32>,
      tpu.vector_store %arg5[%swap3A_95, %swap3A_96], %broadcast_in_dim3A_3 {strides = array<i32>} : memref<32x512xf32, #tpu.memory_space<vmem>>, vector<16xf32>,
      %swap3A_98 = arith.index_cast %scan3A_19 : i32 to index
      %swap3A_99 = arith.constant 416 : index
      %swap3A_100 = tpu.vector_load %arg5[%swap3A_98, %swap3A_99] {strides = array<i32>} : memref<32x512xf32, #tpu.memory_space<vmem>>, vector<16xf32>,
      tpu.vector_store %arg5[%swap3A_98, %swap3A_99], %broadcast_in_dim3A_3 {strides = array<i32>} : memref<32x512xf32, #tpu.memory_space<vmem>>, vector<16xf32>,
      %swap3A_101 = arith.index_cast %scan3A_19 : i32 to index
      %swap3A_102 = arith.constant 432 : index
      %swap3A_103 = tpu.vector_load %arg5[%swap3A_101, %swap3A_102] {strides = array<i32>} : memref<32x512xf32, #tpu.memory_space<vmem>>, vector<16xf32>,
      tpu.vector_store %arg5[%swap3A_101, %swap3A_102], %broadcast_in_dim3A_3 {strides = array<i32>} : memref<32x512xf32, #tpu.memory_space<vmem>>, vector<16xf32>,
      %swap3A_104 = arith.index_cast %scan3A_19 : i32 to index
      %swap3A_105 = arith.constant 448 : index
      %swap3A_106 = tpu.vector_load %arg5[%swap3A_104, %swap3A_105] {strides = array<i32>} : memref<32x512xf32, #tpu.memory_space<vmem>>, vector<16xf32>,
      tpu.vector_store %arg5[%swap3A_104, %swap3A_105], %broadcast_in_dim3A_3 {strides = array<i32>} : memref<32x512xf32, #tpu.memory_space<vmem>>, vector<16xf32>,
      %swap3A_107 = arith.index_cast %scan3A_19 : i32 to index
      %swap3A_108 = arith.constant 464 : index
      %swap3A_109 = tpu.vector_load %arg5[%swap3A_107, %swap3A_108] {strides = array<i32>} : memref<32x512xf32, #tpu.memory_space<vmem>>, vector<16xf32>,
      tpu.vector_store %arg5[%swap3A_107, %swap3A_108], %broadcast_in_dim3A_3 {strides = array<i32>} : memref<32x512xf32, #tpu.memory_space<vmem>>, vector<16xf32>,
      %swap3A_110 = arith.index_cast %scan3A_19 : i32 to index
      %swap3A_111 = arith.constant 480 : index
      %swap3A_112 = tpu.vector_load %arg5[%swap3A_110, %swap3A_111] {strides = array<i32>} : memref<32x512xf32, #tpu.memory_space<vmem>>, vector<16xf32>,
      tpu.vector_store %arg5[%swap3A_110, %swap3A_111], %broadcast_in_dim3A_3 {strides = array<i32>} : memref<32x512xf32, #tpu.memory_space<vmem>>, vector<16xf32>,
      %swap3A_113 = arith.index_cast %scan3A_19 : i32 to index
      %swap3A_114 = arith.constant 496 : index
      %swap3A_115 = tpu.vector_load %arg5[%swap3A_113, %swap3A_114] {strides = array<i32>} : memref<32x512xf32, #tpu.memory_space<vmem>>, vector<16xf32>,
      tpu.vector_store %arg5[%swap3A_113, %swap3A_114], %broadcast_in_dim3A_3 {strides = array<i32>} : memref<32x512xf32, #tpu.memory_space<vmem>>, vector<16xf32>,
      %scan3A_116 = arith.constant 0 : i32
      scf.yield %scan3A_116 : i32
    }
    %scan3A_11 = arith.constant 32 : i32
    %scan3A_12 = arith.constant 0 : i32
    %scan3A_13 = arith.constant 0 : i32
    %scan3A_14 = arith.constant 32 : i32
    %scan3A_15 = arith.addi %scan3A_13, %scan3A_14 : i32
    %scan3A_16 = arith.constant 1 : i32
    %scan3A_17 = scf.for %scan3A_19 = %scan3A_13 to %scan3A_15 step %scan3A_16 iter_args(%scan3A_20 = %scan3A_12) -> (i32)  : i32 {
      %broadcast_in_dim3A_21 = vector.broadcast %scan3A_19 : i32 to vector<16xi32>
      %get3A = arith.index_cast %scan3A_19 : i32 to index
      %get3A_22 = arith.constant 0 : index
      %get3A_23 = tpu.vector_load %arg4[%get3A, %get3A_22] {strides = array<i32>} : memref<32x256xi32, #tpu.memory_space<vmem>>, vector<16xi32>,
      tpu.vector_store_idx %arg5[%broadcast_in_dim3A_21, %get3A_23], %broadcast_in_dim3A_5 {add = true} : memref<32x512xf32, #tpu.memory_space<vmem>>[vector<16xi32>, vector<16xi32>], vector<16xf32>,
      %get3A_24 = arith.index_cast %scan3A_19 : i32 to index
      %get3A_25 = arith.constant 16 : index
      %get3A_26 = tpu.vector_load %arg4[%get3A_24, %get3A_25] {strides = array<i32>} : memref<32x256xi32, #tpu.memory_space<vmem>>, vector<16xi32>,
      tpu.vector_store_idx %arg5[%broadcast_in_dim3A_21, %get3A_26], %broadcast_in_dim3A_5 {add = true} : memref<32x512xf32, #tpu.memory_space<vmem>>[vector<16xi32>, vector<16xi32>], vector<16xf32>,
      %get3A_27 = arith.index_cast %scan3A_19 : i32 to index
      %get3A_28 = arith.constant 32 : index
      %get3A_29 = tpu.vector_load %arg4[%get3A_27, %get3A_28] {strides = array<i32>} : memref<32x256xi32, #tpu.memory_space<vmem>>, vector<16xi32>,
      tpu.vector_store_idx %arg5[%broadcast_in_dim3A_21, %get3A_29], %broadcast_in_dim3A_5 {add = true} : memref<32x512xf32, #tpu.memory_space<vmem>>[vector<16xi32>, vector<16xi32>], vector<16xf32>,
      %get3A_30 = arith.index_cast %scan3A_19 : i32 to index
      %get3A_31 = arith.constant 48 : index
      %get3A_32 = tpu.vector_load %arg4[%get3A_30, %get3A_31] {strides = array<i32>} : memref<32x256xi32, #tpu.memory_space<vmem>>, vector<16xi32>,
      tpu.vector_store_idx %arg5[%broadcast_in_dim3A_21, %get3A_32], %broadcast_in_dim3A_5 {add = true} : memref<32x512xf32, #tpu.memory_space<vmem>>[vector<16xi32>, vector<16xi32>], vector<16xf32>,
      %get3A_33 = arith.index_cast %scan3A_19 : i32 to index
      %get3A_34 = arith.constant 64 : index
      %get3A_35 = tpu.vector_load %arg4[%get3A_33, %get3A_34] {strides = array<i32>} : memref<32x256xi32, #tpu.memory_space<vmem>>, vector<16xi32>,
      tpu.vector_store_idx %arg5[%broadcast_in_dim3A_21, %get3A_35], %broadcast_in_dim3A_5 {add = true} : memref<32x512xf32, #tpu.memory_space<vmem>>[vector<16xi32>, vector<16xi32>], vector<16xf32>,
      %get3A_36 = arith.index_cast %scan3A_19 : i32 to index
      %get3A_37 = arith.constant 80 : index
      %get3A_38 = tpu.vector_load %arg4[%get3A_36, %get3A_37] {strides = array<i32>} : memref<32x256xi32, #tpu.memory_space<vmem>>, vector<16xi32>,
      tpu.vector_store_idx %arg5[%broadcast_in_dim3A_21, %get3A_38], %broadcast_in_dim3A_5 {add = true} : memref<32x512xf32, #tpu.memory_space<vmem>>[vector<16xi32>, vector<16xi32>], vector<16xf32>,
      %get3A_39 = arith.index_cast %scan3A_19 : i32 to index
      %get3A_40 = arith.constant 96 : index
      %get3A_41 = tpu.vector_load %arg4[%get3A_39, %get3A_40] {strides = array<i32>} : memref<32x256xi32, #tpu.memory_space<vmem>>, vector<16xi32>,
      tpu.vector_store_idx %arg5[%broadcast_in_dim3A_21, %get3A_41], %broadcast_in_dim3A_5 {add = true} : memref<32x512xf32, #tpu.memory_space<vmem>>[vector<16xi32>, vector<16xi32>], vector<16xf32>,
      %get3A_42 = arith.index_cast %scan3A_19 : i32 to index
      %get3A_43 = arith.constant 112 : index
      %get3A_44 = tpu.vector_load %arg4[%get3A_42, %get3A_43] {strides = array<i32>} : memref<32x256xi32, #tpu.memory_space<vmem>>, vector<16xi32>,
      tpu.vector_store_idx %arg5[%broadcast_in_dim3A_21, %get3A_44], %broadcast_in_dim3A_5 {add = true} : memref<32x512xf32, #tpu.memory_space<vmem>>[vector<16xi32>, vector<16xi32>], vector<16xf32>,
      %get3A_45 = arith.index_cast %scan3A_19 : i32 to index
      %get3A_46 = arith.constant 128 : index
      %get3A_47 = tpu.vector_load %arg4[%get3A_45, %get3A_46] {strides = array<i32>} : memref<32x256xi32, #tpu.memory_space<vmem>>, vector<16xi32>,
      tpu.vector_store_idx %arg5[%broadcast_in_dim3A_21, %get3A_47], %broadcast_in_dim3A_5 {add = true} : memref<32x512xf32, #tpu.memory_space<vmem>>[vector<16xi32>, vector<16xi32>], vector<16xf32>,
      %get3A_48 = arith.index_cast %scan3A_19 : i32 to index
      %get3A_49 = arith.constant 144 : index
      %get3A_50 = tpu.vector_load %arg4[%get3A_48, %get3A_49] {strides = array<i32>} : memref<32x256xi32, #tpu.memory_space<vmem>>, vector<16xi32>,
      tpu.vector_store_idx %arg5[%broadcast_in_dim3A_21, %get3A_50], %broadcast_in_dim3A_5 {add = true} : memref<32x512xf32, #tpu.memory_space<vmem>>[vector<16xi32>, vector<16xi32>], vector<16xf32>,
      %get3A_51 = arith.index_cast %scan3A_19 : i32 to index
      %get3A_52 = arith.constant 160 : index
      %get3A_53 = tpu.vector_load %arg4[%get3A_51, %get3A_52] {strides = array<i32>} : memref<32x256xi32, #tpu.memory_space<vmem>>, vector<16xi32>,
      tpu.vector_store_idx %arg5[%broadcast_in_dim3A_21, %get3A_53], %broadcast_in_dim3A_5 {add = true} : memref<32x512xf32, #tpu.memory_space<vmem>>[vector<16xi32>, vector<16xi32>], vector<16xf32>,
      %get3A_54 = arith.index_cast %scan3A_19 : i32 to index
      %get3A_55 = arith.constant 176 : index
      %get3A_56 = tpu.vector_load %arg4[%get3A_54, %get3A_55] {strides = array<i32>} : memref<32x256xi32, #tpu.memory_space<vmem>>, vector<16xi32>,
      tpu.vector_store_idx %arg5[%broadcast_in_dim3A_21, %get3A_56], %broadcast_in_dim3A_5 {add = true} : memref<32x512xf32, #tpu.memory_space<vmem>>[vector<16xi32>, vector<16xi32>], vector<16xf32>,
      %get3A_57 = arith.index_cast %scan3A_19 : i32 to index
      %get3A_58 = arith.constant 192 : index
      %get3A_59 = tpu.vector_load %arg4[%get3A_57, %get3A_58] {strides = array<i32>} : memref<32x256xi32, #tpu.memory_space<vmem>>, vector<16xi32>,
      tpu.vector_store_idx %arg5[%broadcast_in_dim3A_21, %get3A_59], %broadcast_in_dim3A_5 {add = true} : memref<32x512xf32, #tpu.memory_space<vmem>>[vector<16xi32>, vector<16xi32>], vector<16xf32>,
      %get3A_60 = arith.index_cast %scan3A_19 : i32 to index
      %get3A_61 = arith.constant 208 : index
      %get3A_62 = tpu.vector_load %arg4[%get3A_60, %get3A_61] {strides = array<i32>} : memref<32x256xi32, #tpu.memory_space<vmem>>, vector<16xi32>,
      tpu.vector_store_idx %arg5[%broadcast_in_dim3A_21, %get3A_62], %broadcast_in_dim3A_5 {add = true} : memref<32x512xf32, #tpu.memory_space<vmem>>[vector<16xi32>, vector<16xi32>], vector<16xf32>,
      %get3A_63 = arith.index_cast %scan3A_19 : i32 to index
      %get3A_64 = arith.constant 224 : index
      %get3A_65 = tpu.vector_load %arg4[%get3A_63, %get3A_64] {strides = array<i32>} : memref<32x256xi32, #tpu.memory_space<vmem>>, vector<16xi32>,
      tpu.vector_store_idx %arg5[%broadcast_in_dim3A_21, %get3A_65], %broadcast_in_dim3A_5 {add = true} : memref<32x512xf32, #tpu.memory_space<vmem>>[vector<16xi32>, vector<16xi32>], vector<16xf32>,
      %get3A_66 = arith.index_cast %scan3A_19 : i32 to index
      %get3A_67 = arith.constant 240 : index
      %get3A_68 = tpu.vector_load %arg4[%get3A_66, %get3A_67] {strides = array<i32>} : memref<32x256xi32, #tpu.memory_space<vmem>>, vector<16xi32>,
      tpu.vector_store_idx %arg5[%broadcast_in_dim3A_21, %get3A_68], %broadcast_in_dim3A_5 {add = true} : memref<32x512xf32, #tpu.memory_space<vmem>>[vector<16xi32>, vector<16xi32>], vector<16xf32>,
      %scan3A_69 = arith.constant 0 : i32
      scf.yield %scan3A_69 : i32
    }
    %scan3A_18 = arith.constant 32 : i32
    "tpu.region"() ({
      %run_scoped3A = tpu.sem_alloc : memref<!tpu.dma_semaphore, #tpu.memory_space<semaphore_mem>>
      %dma_start3A = arith.constant 0 : i32
      %dma_start3A_19 = tpu.memref_slice %arg3[%mul3A_2, %dma_start3A] : memref<1024x512xf32, #tpu.memory_space<hbm>> -> memref<32x512xf32, #tpu.memory_space<hbm>>
      %dma_start3A_20 = arith.constant 0 : i32
      %dma_start3A_21 = tpu.memref_slice %arg3[%mul3A_2, %dma_start3A_20] : memref<1024x512xf32, #tpu.memory_space<hbm>> -> memref<32x512xf32, #tpu.memory_space<hbm>>
      tpu.enqueue_dma source(%arg5 : memref<32x512xf32, #tpu.memory_space<vmem>>) target(%dma_start3A_21 : memref<32x512xf32, #tpu.memory_space<hbm>>) target_semaphore(%run_scoped3A : memref<!tpu.dma_semaphore, #tpu.memory_space<semaphore_mem>>)
      %dma_wait3A = arith.constant 0 : i32
      %dma_wait3A_22 = tpu.memref_slice %arg3[%mul3A_2, %dma_wait3A] : memref<1024x512xf32, #tpu.memory_space<hbm>> -> memref<32x512xf32, #tpu.memory_space<hbm>>
      %dma_wait3A_23 = arith.constant 0 : i32
      %dma_wait3A_24 = tpu.memref_slice %arg3[%mul3A_2, %dma_wait3A_23] : memref<1024x512xf32, #tpu.memory_space<hbm>> -> memref<32x512xf32, #tpu.memory_space<hbm>>
      tpu.wait_dma2 semaphore(%run_scoped3A : memref<!tpu.dma_semaphore, #tpu.memory_space<semaphore_mem>>) src(%arg5 : memref<32x512xf32, #tpu.memory_space<vmem>>) dst(%dma_wait3A_24 : memref<32x512xf32, #tpu.memory_space<hbm>>)
      tpu.yield
    }) : () -> ()
    return
  }
}

module attributes {stable_mosaic.version = 14 : i64} {
  func.func @_stats_body(%arg0: i32, %arg1: memref<1024x512xf32, #tpu.memory_space<vmem>>, %arg2: memref<1024x64x512xf32, #tpu.memory_space<any>>, %arg3: memref<1024x128xf32, #tpu.memory_space<vmem>>, %arg4: memref<1x1x512xf32, #tpu.memory_space<vmem>>, %arg5: memref<1x1x512xf32, #tpu.memory_space<vmem>>, %arg6: memref<2x128xf32, #tpu.memory_space<vmem>>, %arg7: memref<4x1024x1x512xf32, #tpu.memory_space<vmem>>, %arg8: memref<4x!tpu.dma_semaphore, #tpu.memory_space<semaphore_mem>>) attributes {dimension_semantics = [#tpu.dimension_semantics<arbitrary>], iteration_bounds = array<i64: 64>, scalar_prefetch = 0 : i64, scratch_operands = 2 : i64, tpu.core_type = #tpu.core_type<tc>, window_params = [{pipeline_mode = #tpu.pipeline_mode<synchronous>, transform_indices = @transform_0, window_bounds = array<i64: 1024, 512>}, {}, {pipeline_mode = #tpu.pipeline_mode<synchronous>, transform_indices = @transform_2, window_bounds = array<i64: 1024, 128>}, {transform_indices = @transform_3, window_bounds = array<i64: 1, 1, 512>}, {transform_indices = @transform_4, window_bounds = array<i64: 1, 1, 512>}, {pipeline_mode = #tpu.pipeline_mode<synchronous>, transform_indices = @transform_5, window_bounds = array<i64: 2, 128>}]} {
    %eq3A = arith.constant 0 : i32
    %eq3A_0 = arith.cmpi eq, %arg0, %eq3A : i32
    %convert_element_type3A = arith.extui %eq3A_0 : i1 to i32
    %cond3A = arith.constant 0 : i32
    %cond3A_1 = arith.cmpi ne, %convert_element_type3A, %cond3A : i32
    scf.if %cond3A_1 {
      %dma_start3A = arith.constant 0 : i32
      %dma_start3A_45 = arith.constant 0 : i32
      %dma_start3A_46 = tpu.memref_slice %arg8[%dma_start3A_45] : memref<4x!tpu.dma_semaphore, #tpu.memory_space<semaphore_mem>> -> memref<1x!tpu.dma_semaphore, #tpu.memory_space<semaphore_mem>>
      %dma_start3A_47 = tpu.memref_squeeze %dma_start3A_46 : memref<1x!tpu.dma_semaphore, #tpu.memory_space<semaphore_mem>> -> memref<!tpu.dma_semaphore, #tpu.memory_space<semaphore_mem>>
      %dma_start3A_48 = arith.constant 0 : i32
      %dma_start3A_49 = arith.constant 0 : i32
      %dma_start3A_50 = arith.constant 0 : i32
      %dma_start3A_51 = tpu.memref_slice %arg7[%dma_start3A, %dma_start3A_48, %dma_start3A_49, %dma_start3A_50] : memref<4x1024x1x512xf32, #tpu.memory_space<vmem>> -> memref<1x1024x1x512xf32, #tpu.memory_space<vmem>>
      %dma_start3A_52 = tpu.memref_squeeze %dma_start3A_51 : memref<1x1024x1x512xf32, #tpu.memory_space<vmem>> -> memref<1024x1x512xf32, #tpu.memory_space<vmem>>
      %dma_start3A_53 = arith.constant 0 : i32
      %dma_start3A_54 = arith.constant 0 : i32
      %dma_start3A_55 = arith.constant 0 : i32
      %dma_start3A_56 = tpu.memref_slice %arg2[%dma_start3A_53, %dma_start3A_54, %dma_start3A_55] : memref<1024x64x512xf32, #tpu.memory_space<any>> -> memref<1024x1x512xf32, #tpu.memory_space<any>>
      tpu.enqueue_dma source(%dma_start3A_56 : memref<1024x1x512xf32, #tpu.memory_space<any>>) target(%dma_start3A_52 : memref<1024x1x512xf32, #tpu.memory_space<vmem>>) target_semaphore(%dma_start3A_47 : memref<!tpu.dma_semaphore, #tpu.memory_space<semaphore_mem>>)
      %dma_start3A_57 = arith.constant 1 : i32
      %dma_start3A_58 = arith.constant 1 : i32
      %dma_start3A_59 = tpu.memref_slice %arg8[%dma_start3A_58] : memref<4x!tpu.dma_semaphore, #tpu.memory_space<semaphore_mem>> -> memref<1x!tpu.dma_semaphore, #tpu.memory_space<semaphore_mem>>
      %dma_start3A_60 = tpu.memref_squeeze %dma_start3A_59 : memref<1x!tpu.dma_semaphore, #tpu.memory_space<semaphore_mem>> -> memref<!tpu.dma_semaphore, #tpu.memory_space<semaphore_mem>>
      %dma_start3A_61 = arith.constant 0 : i32
      %dma_start3A_62 = arith.constant 0 : i32
      %dma_start3A_63 = arith.constant 0 : i32
      %dma_start3A_64 = tpu.memref_slice %arg7[%dma_start3A_57, %dma_start3A_61, %dma_start3A_62, %dma_start3A_63] : memref<4x1024x1x512xf32, #tpu.memory_space<vmem>> -> memref<1x1024x1x512xf32, #tpu.memory_space<vmem>>
      %dma_start3A_65 = tpu.memref_squeeze %dma_start3A_64 : memref<1x1024x1x512xf32, #tpu.memory_space<vmem>> -> memref<1024x1x512xf32, #tpu.memory_space<vmem>>
      %dma_start3A_66 = arith.constant 0 : i32
      %dma_start3A_67 = arith.constant 1 : i32
      %dma_start3A_68 = arith.constant 0 : i32
      %dma_start3A_69 = tpu.memref_slice %arg2[%dma_start3A_66, %dma_start3A_67, %dma_start3A_68] : memref<1024x64x512xf32, #tpu.memory_space<any>> -> memref<1024x1x512xf32, #tpu.memory_space<any>>
      tpu.enqueue_dma source(%dma_start3A_69 : memref<1024x1x512xf32, #tpu.memory_space<any>>) target(%dma_start3A_65 : memref<1024x1x512xf32, #tpu.memory_space<vmem>>) target_semaphore(%dma_start3A_60 : memref<!tpu.dma_semaphore, #tpu.memory_space<semaphore_mem>>)
      %dma_start3A_70 = arith.constant 2 : i32
      %dma_start3A_71 = arith.constant 2 : i32
      %dma_start3A_72 = tpu.memref_slice %arg8[%dma_start3A_71] : memref<4x!tpu.dma_semaphore, #tpu.memory_space<semaphore_mem>> -> memref<1x!tpu.dma_semaphore, #tpu.memory_space<semaphore_mem>>
      %dma_start3A_73 = tpu.memref_squeeze %dma_start3A_72 : memref<1x!tpu.dma_semaphore, #tpu.memory_space<semaphore_mem>> -> memref<!tpu.dma_semaphore, #tpu.memory_space<semaphore_mem>>
      %dma_start3A_74 = arith.constant 0 : i32
      %dma_start3A_75 = arith.constant 0 : i32
      %dma_start3A_76 = arith.constant 0 : i32
      %dma_start3A_77 = tpu.memref_slice %arg7[%dma_start3A_70, %dma_start3A_74, %dma_start3A_75, %dma_start3A_76] : memref<4x1024x1x512xf32, #tpu.memory_space<vmem>> -> memref<1x1024x1x512xf32, #tpu.memory_space<vmem>>
      %dma_start3A_78 = tpu.memref_squeeze %dma_start3A_77 : memref<1x1024x1x512xf32, #tpu.memory_space<vmem>> -> memref<1024x1x512xf32, #tpu.memory_space<vmem>>
      %dma_start3A_79 = arith.constant 0 : i32
      %dma_start3A_80 = arith.constant 2 : i32
      %dma_start3A_81 = arith.constant 0 : i32
      %dma_start3A_82 = tpu.memref_slice %arg2[%dma_start3A_79, %dma_start3A_80, %dma_start3A_81] : memref<1024x64x512xf32, #tpu.memory_space<any>> -> memref<1024x1x512xf32, #tpu.memory_space<any>>
      tpu.enqueue_dma source(%dma_start3A_82 : memref<1024x1x512xf32, #tpu.memory_space<any>>) target(%dma_start3A_78 : memref<1024x1x512xf32, #tpu.memory_space<vmem>>) target_semaphore(%dma_start3A_73 : memref<!tpu.dma_semaphore, #tpu.memory_space<semaphore_mem>>)
      %dma_start3A_83 = arith.constant 3 : i32
      %dma_start3A_84 = arith.constant 3 : i32
      %dma_start3A_85 = tpu.memref_slice %arg8[%dma_start3A_84] : memref<4x!tpu.dma_semaphore, #tpu.memory_space<semaphore_mem>> -> memref<1x!tpu.dma_semaphore, #tpu.memory_space<semaphore_mem>>
      %dma_start3A_86 = tpu.memref_squeeze %dma_start3A_85 : memref<1x!tpu.dma_semaphore, #tpu.memory_space<semaphore_mem>> -> memref<!tpu.dma_semaphore, #tpu.memory_space<semaphore_mem>>
      %dma_start3A_87 = arith.constant 0 : i32
      %dma_start3A_88 = arith.constant 0 : i32
      %dma_start3A_89 = arith.constant 0 : i32
      %dma_start3A_90 = tpu.memref_slice %arg7[%dma_start3A_83, %dma_start3A_87, %dma_start3A_88, %dma_start3A_89] : memref<4x1024x1x512xf32, #tpu.memory_space<vmem>> -> memref<1x1024x1x512xf32, #tpu.memory_space<vmem>>
      %dma_start3A_91 = tpu.memref_squeeze %dma_start3A_90 : memref<1x1024x1x512xf32, #tpu.memory_space<vmem>> -> memref<1024x1x512xf32, #tpu.memory_space<vmem>>
      %dma_start3A_92 = arith.constant 0 : i32
      %dma_start3A_93 = arith.constant 3 : i32
      %dma_start3A_94 = arith.constant 0 : i32
      %dma_start3A_95 = tpu.memref_slice %arg2[%dma_start3A_92, %dma_start3A_93, %dma_start3A_94] : memref<1024x64x512xf32, #tpu.memory_space<any>> -> memref<1024x1x512xf32, #tpu.memory_space<any>>
      tpu.enqueue_dma source(%dma_start3A_95 : memref<1024x1x512xf32, #tpu.memory_space<any>>) target(%dma_start3A_91 : memref<1024x1x512xf32, #tpu.memory_space<vmem>>) target_semaphore(%dma_start3A_86 : memref<!tpu.dma_semaphore, #tpu.memory_space<semaphore_mem>>)
    } else {
    }
    %rem3A = arith.constant 4 : i32
    %rem3A_2 = arith.remsi %arg0, %rem3A : i32
    %dma_wait3A = tpu.memref_slice %arg8[%rem3A_2] : memref<4x!tpu.dma_semaphore, #tpu.memory_space<semaphore_mem>> -> memref<1x!tpu.dma_semaphore, #tpu.memory_space<semaphore_mem>>
    %dma_wait3A_3 = tpu.memref_squeeze %dma_wait3A : memref<1x!tpu.dma_semaphore, #tpu.memory_space<semaphore_mem>> -> memref<!tpu.dma_semaphore, #tpu.memory_space<semaphore_mem>>
    %dma_wait3A_4 = arith.constant 0 : i32
    %dma_wait3A_5 = arith.constant 0 : i32
    %dma_wait3A_6 = arith.constant 0 : i32
    %dma_wait3A_7 = tpu.memref_slice %arg7[%rem3A_2, %dma_wait3A_4, %dma_wait3A_5, %dma_wait3A_6] : memref<4x1024x1x512xf32, #tpu.memory_space<vmem>> -> memref<1x1024x1x512xf32, #tpu.memory_space<vmem>>
    %dma_wait3A_8 = tpu.memref_squeeze %dma_wait3A_7 : memref<1x1024x1x512xf32, #tpu.memory_space<vmem>> -> memref<1024x1x512xf32, #tpu.memory_space<vmem>>
    %dma_wait3A_9 = arith.constant 0 : i32
    %dma_wait3A_10 = arith.constant 0 : i32
    %dma_wait3A_11 = tpu.memref_slice %arg2[%dma_wait3A_9, %arg0, %dma_wait3A_10] : memref<1024x64x512xf32, #tpu.memory_space<any>> -> memref<1024x1x512xf32, #tpu.memory_space<any>>
    tpu.wait_dma2 semaphore(%dma_wait3A_3 : memref<!tpu.dma_semaphore, #tpu.memory_space<semaphore_mem>>) src(%dma_wait3A_11 : memref<1024x1x512xf32, #tpu.memory_space<any>>) dst(%dma_wait3A_8 : memref<1024x1x512xf32, #tpu.memory_space<vmem>>)
    %get3A = arith.index_cast %rem3A_2 : i32 to index
    %get3A_12 = arith.constant 0 : index
    %get3A_13 = arith.constant 0 : index
    %get3A_14 = arith.constant 0 : index
    %get3A_15 = vector.load %arg7[%get3A, %get3A_12, %get3A_13, %get3A_14] : memref<4x1024x1x512xf32, #tpu.memory_space<vmem>>, vector<1x1024x1x512xf32>
    %get3A_16 = vector.shape_cast %get3A_15 : vector<1x1024x1x512xf32> to vector<1024x1x512xf32>
    %reshape3A = vector.shape_cast %get3A_16 : vector<1024x1x512xf32> to vector<1024x512xf32>
    %get3A_17 = arith.constant 0 : index
    %get3A_18 = arith.constant 0 : index
    %get3A_19 = vector.load %arg1[%get3A_17, %get3A_18] : memref<1024x512xf32, #tpu.memory_space<vmem>>, vector<1024x512xf32>
    %mul3A = arith.mulf %get3A_19, %reshape3A : vector<1024x512xf32>
    %broadcast_in_dim3A = arith.constant 1.000000e+00 : f32
    %broadcast_in_dim3A_20 = vector.broadcast %broadcast_in_dim3A : f32 to vector<1x1024xf32>
    %dot_general3A = arith.constant dense<0.000000e+00> : vector<1x512xf32>
    %dot_general3A_21 = tpu.matmul %broadcast_in_dim3A_20, %mul3A, %dot_general3A {dimension_numbers = #tpu.dot_dimension_numbers<[1], [0], [0], [1], [0, 0, 1, 1], [], []>, transpose_lhs_hint = false} : vector<1x1024xf32>, vector<1024x512xf32>, vector<1x512xf32> -> vector<1x512xf32>
    %swap3A = arith.constant 0 : index
    %swap3A_22 = arith.constant 0 : index
    %swap3A_23 = arith.constant 0 : index
    %swap3A_24 = vector.load %arg4[%swap3A, %swap3A_22, %swap3A_23] : memref<1x1x512xf32, #tpu.memory_space<vmem>>, vector<1x1x512xf32>
    %swap3A_25 = vector.shape_cast %swap3A_24 : vector<1x1x512xf32> to vector<1x512xf32>
    %swap3A_26 = vector.shape_cast %dot_general3A_21 : vector<1x512xf32> to vector<1x1x512xf32>
    tpu.vector_store %arg4[%swap3A, %swap3A_22, %swap3A_23], %swap3A_26 {strides = array<i32>} : memref<1x1x512xf32, #tpu.memory_space<vmem>>, vector<1x1x512xf32>,
    %mul3A_27 = arith.mulf %mul3A, %reshape3A : vector<1024x512xf32>
    %dot_general3A_28 = arith.constant dense<0.000000e+00> : vector<1x512xf32>
    %dot_general3A_29 = tpu.matmul %broadcast_in_dim3A_20, %mul3A_27, %dot_general3A_28 {dimension_numbers = #tpu.dot_dimension_numbers<[1], [0], [0], [1], [0, 0, 1, 1], [], []>, transpose_lhs_hint = false} : vector<1x1024xf32>, vector<1024x512xf32>, vector<1x512xf32> -> vector<1x512xf32>
    %swap3A_30 = arith.constant 0 : index
    %swap3A_31 = arith.constant 0 : index
    %swap3A_32 = arith.constant 0 : index
    %swap3A_33 = vector.load %arg5[%swap3A_30, %swap3A_31, %swap3A_32] : memref<1x1x512xf32, #tpu.memory_space<vmem>>, vector<1x1x512xf32>
    %swap3A_34 = vector.shape_cast %swap3A_33 : vector<1x1x512xf32> to vector<1x512xf32>
    %swap3A_35 = vector.shape_cast %dot_general3A_29 : vector<1x512xf32> to vector<1x1x512xf32>
    tpu.vector_store %arg5[%swap3A_30, %swap3A_31, %swap3A_32], %swap3A_35 {strides = array<i32>} : memref<1x1x512xf32, #tpu.memory_space<vmem>>, vector<1x1x512xf32>,
    %le3A = arith.constant 59 : i32
    %le3A_36 = arith.cmpi sle, %arg0, %le3A : i32
    %convert_element_type3A_37 = arith.extui %le3A_36 : i1 to i32
    %cond3A_38 = arith.constant 0 : i32
    %cond3A_39 = arith.cmpi ne, %convert_element_type3A_37, %cond3A_38 : i32
    scf.if %cond3A_39 {
      %add3A = arith.constant 4 : i32
      %add3A_45 = arith.addi %arg0, %add3A : i32
      %dma_start3A = tpu.memref_slice %arg8[%rem3A_2] : memref<4x!tpu.dma_semaphore, #tpu.memory_space<semaphore_mem>> -> memref<1x!tpu.dma_semaphore, #tpu.memory_space<semaphore_mem>>
      %dma_start3A_46 = tpu.memref_squeeze %dma_start3A : memref<1x!tpu.dma_semaphore, #tpu.memory_space<semaphore_mem>> -> memref<!tpu.dma_semaphore, #tpu.memory_space<semaphore_mem>>
      %dma_start3A_47 = arith.constant 0 : i32
      %dma_start3A_48 = arith.constant 0 : i32
      %dma_start3A_49 = arith.constant 0 : i32
      %dma_start3A_50 = tpu.memref_slice %arg7[%rem3A_2, %dma_start3A_47, %dma_start3A_48, %dma_start3A_49] : memref<4x1024x1x512xf32, #tpu.memory_space<vmem>> -> memref<1x1024x1x512xf32, #tpu.memory_space<vmem>>
      %dma_start3A_51 = tpu.memref_squeeze %dma_start3A_50 : memref<1x1024x1x512xf32, #tpu.memory_space<vmem>> -> memref<1024x1x512xf32, #tpu.memory_space<vmem>>
      %dma_start3A_52 = arith.constant 0 : i32
      %dma_start3A_53 = arith.constant 0 : i32
      %dma_start3A_54 = tpu.memref_slice %arg2[%dma_start3A_52, %add3A_45, %dma_start3A_53] : memref<1024x64x512xf32, #tpu.memory_space<any>> -> memref<1024x1x512xf32, #tpu.memory_space<any>>
      tpu.enqueue_dma source(%dma_start3A_54 : memref<1024x1x512xf32, #tpu.memory_space<any>>) target(%dma_start3A_51 : memref<1024x1x512xf32, #tpu.memory_space<vmem>>) target_semaphore(%dma_start3A_46 : memref<!tpu.dma_semaphore, #tpu.memory_space<semaphore_mem>>)
    } else {
    }
    %eq3A_40 = arith.constant 63 : i32
    %eq3A_41 = arith.cmpi eq, %arg0, %eq3A_40 : i32
    %convert_element_type3A_42 = arith.extui %eq3A_41 : i1 to i32
    %cond3A_43 = arith.constant 0 : i32
    %cond3A_44 = arith.cmpi ne, %convert_element_type3A_42, %cond3A_43 : i32
    scf.if %cond3A_44 {
      %get3A_45 = arith.constant 0 : index
      %get3A_46 = arith.constant 0 : index
      %get3A_47 = vector.load %arg3[%get3A_45, %get3A_46] : memref<1024x128xf32, #tpu.memory_space<vmem>>, vector<1024x128xf32>
      %reduce_sum3A = arith.constant dense<0.000000e+00> : vector<128xf32>
      %reduce_sum3A_48 = vector.multi_reduction <add>, %get3A_47, %reduce_sum3A [0] : vector<1024x128xf32> to vector<128xf32>
      %broadcast_in_dim3A_49 = vector.shape_cast %reduce_sum3A_48 : vector<128xf32> to vector<1x128xf32>
      %swap3A_50 = arith.constant 0 : index
      %swap3A_51 = arith.constant 0 : index
      %swap3A_52 = vector.load %arg6[%swap3A_50, %swap3A_51] : memref<2x128xf32, #tpu.memory_space<vmem>>, vector<1x128xf32>
      tpu.vector_store %arg6[%swap3A_50, %swap3A_51], %broadcast_in_dim3A_49 {strides = array<i32>} : memref<2x128xf32, #tpu.memory_space<vmem>>, vector<1x128xf32>,
      %mul3A_53 = arith.mulf %get3A_47, %get3A_47 : vector<1024x128xf32>
      %reduce_sum3A_54 = arith.constant dense<0.000000e+00> : vector<128xf32>
      %reduce_sum3A_55 = vector.multi_reduction <add>, %mul3A_53, %reduce_sum3A_54 [0] : vector<1024x128xf32> to vector<128xf32>
      %broadcast_in_dim3A_56 = vector.shape_cast %reduce_sum3A_55 : vector<128xf32> to vector<1x128xf32>
      %swap3A_57 = arith.constant 1 : index
      %swap3A_58 = arith.constant 0 : index
      %swap3A_59 = vector.load %arg6[%swap3A_57, %swap3A_58] : memref<2x128xf32, #tpu.memory_space<vmem>>, vector<1x128xf32>
      tpu.vector_store %arg6[%swap3A_57, %swap3A_58], %broadcast_in_dim3A_56 {strides = array<i32>} : memref<2x128xf32, #tpu.memory_space<vmem>>, vector<1x128xf32>,
    } else {
    }
    return
  }
  func.func @transform_0(%arg0: i32) -> (i32, i32) {
    %c0_i32 = arith.constant 0 : i32
    %c0_i32_0 = arith.constant 0 : i32
    %c0_i32_1 = arith.constant 0 : i32
    return %c0_i32, %c0_i32_0 : i32, i32
  }
  func.func @transform_2(%arg0: i32) -> (i32, i32) {
    %c0_i32 = arith.constant 0 : i32
    %c0_i32_0 = arith.constant 0 : i32
    %c0_i32_1 = arith.constant 0 : i32
    return %c0_i32, %c0_i32_0 : i32, i32
  }
  func.func @transform_3(%arg0: i32) -> (i32, i32, i32) {
    %c0_i32 = arith.constant 0 : i32
    %c0_i32_0 = arith.constant 0 : i32
    %c0_i32_1 = arith.constant 0 : i32
    return %arg0, %c0_i32, %c0_i32_0 : i32, i32, i32
  }
  func.func @transform_4(%arg0: i32) -> (i32, i32, i32) {
    %c0_i32 = arith.constant 0 : i32
    %c0_i32_0 = arith.constant 0 : i32
    %c0_i32_1 = arith.constant 0 : i32
    return %arg0, %c0_i32, %c0_i32_0 : i32, i32, i32
  }
  func.func @transform_5(%arg0: i32) -> (i32, i32) {
    %c0_i32 = arith.constant 0 : i32
    %c0_i32_0 = arith.constant 0 : i32
    %c0_i32_1 = arith.constant 0 : i32
    return %c0_i32, %c0_i32_0 : i32, i32
  }
}

module attributes {stable_mosaic.version = 14 : i64} {
  func.func @_mm_body(%arg0: i32, %arg1: memref<64xf32, #tpu.memory_space<smem>>, %arg2: memref<64xf32, #tpu.memory_space<smem>>, %arg3: memref<1024x64x512xf32, #tpu.memory_space<any>>, %arg4: memref<1024x512xf32, #tpu.memory_space<vmem>>, %arg5: memref<1024x128xf32, #tpu.memory_space<vmem>>, %arg6: memref<1024x512xf32, #tpu.memory_space<vmem>>, %arg7: memref<1x64xf32, #tpu.memory_space<vmem>>, %arg8: memref<1x64xf32, #tpu.memory_space<vmem>>, %arg9: memref<1x64xf32, #tpu.memory_space<vmem>>, %arg10: memref<1x64xf32, #tpu.memory_space<vmem>>, %arg11: memref<1x1024xf32, #tpu.memory_space<vmem>>, %arg12: memref<1x1024xf32, #tpu.memory_space<vmem>>, %arg13: memref<1x1024xf32, #tpu.memory_space<vmem>>, %arg14: memref<1024x512xf32, #tpu.memory_space<vmem>>, %arg15: memref<1x512xf32, #tpu.memory_space<vmem>>, %arg16: memref<522x64x1024xf32, #tpu.memory_space<any>>, %arg17: memref<1024x512xf32, #tpu.memory_space<vmem>>, %arg18: memref<1024x1024xf32, #tpu.memory_space<vmem>>, %arg19: memref<4x512x1x1024xf32, #tpu.memory_space<vmem>>, %arg20: memref<4x1024x1x512xf32, #tpu.memory_space<vmem>>, %arg21: memref<2x64x1024xf32, #tpu.memory_space<vmem>>, %arg22: memref<8x64x1024xf32, #tpu.memory_space<vmem>>, %arg23: memref<4x!tpu.dma_semaphore, #tpu.memory_space<semaphore_mem>>, %arg24: memref<4x!tpu.dma_semaphore, #tpu.memory_space<semaphore_mem>>, %arg25: memref<!tpu.dma_semaphore, #tpu.memory_space<semaphore_mem>>, %arg26: memref<!tpu.dma_semaphore, #tpu.memory_space<semaphore_mem>>) attributes {dimension_semantics = [#tpu.dimension_semantics<arbitrary>], iteration_bounds = array<i64: 66>, scalar_prefetch = 0 : i64, scratch_operands = 9 : i64, tpu.core_type = #tpu.core_type<tc>, window_params = [{transform_indices = @transform_0, window_bounds = array<i64: 64>}, {transform_indices = @transform_1, window_bounds = array<i64: 64>}, {}, {pipeline_mode = #tpu.pipeline_mode<synchronous>, transform_indices = @transform_3, window_bounds = array<i64: 1024, 512>}, {pipeline_mode = #tpu.pipeline_mode<synchronous>, transform_indices = @transform_4, window_bounds = array<i64: 1024, 128>}, {pipeline_mode = #tpu.pipeline_mode<synchronous>, transform_indices = @transform_5, window_bounds = array<i64: 1024, 512>}, {pipeline_mode = #tpu.pipeline_mode<synchronous>, transform_indices = @transform_6, window_bounds = array<i64: 1, 64>}, {pipeline_mode = #tpu.pipeline_mode<synchronous>, transform_indices = @transform_7, window_bounds = array<i64: 1, 64>}, {pipeline_mode = #tpu.pipeline_mode<synchronous>, transform_indices = @transform_8, window_bounds = array<i64: 1, 64>}, {pipeline_mode = #tpu.pipeline_mode<synchronous>, transform_indices = @transform_9, window_bounds = array<i64: 1, 64>}, {pipeline_mode = #tpu.pipeline_mode<synchronous>, transform_indices = @transform_10, window_bounds = array<i64: 1, 1024>}, {pipeline_mode = #tpu.pipeline_mode<synchronous>, transform_indices = @transform_11, window_bounds = array<i64: 1, 1024>}, {pipeline_mode = #tpu.pipeline_mode<synchronous>, transform_indices = @transform_12, window_bounds = array<i64: 1, 1024>}, {pipeline_mode = #tpu.pipeline_mode<synchronous>, transform_indices = @transform_13, window_bounds = array<i64: 1024, 512>}, {pipeline_mode = #tpu.pipeline_mode<synchronous>, transform_indices = @transform_14, window_bounds = array<i64: 1, 512>}, {}, {pipeline_mode = #tpu.pipeline_mode<synchronous>, transform_indices = @transform_16, window_bounds = array<i64: 1024, 512>}]} {
    %eq3A = arith.constant 0 : i32
    %eq3A_0 = arith.cmpi eq, %arg0, %eq3A : i32
    %convert_element_type3A = arith.extui %eq3A_0 : i1 to i32
    %cond3A = arith.constant 0 : i32
    %cond3A_1 = arith.cmpi ne, %convert_element_type3A, %cond3A : i32
    scf.if %cond3A_1 {
      %broadcast_in_dim3A = arith.constant 0.000000e+00 : f32
      %broadcast_in_dim3A_16 = vector.broadcast %broadcast_in_dim3A : f32 to vector<1024x1024xf32>
      %swap3A = arith.constant 0 : index
      %swap3A_17 = arith.constant 0 : index
      %swap3A_18 = vector.load %arg18[%swap3A, %swap3A_17] : memref<1024x1024xf32, #tpu.memory_space<vmem>>, vector<1024x1024xf32>
      tpu.vector_store %arg18[%swap3A, %swap3A_17], %broadcast_in_dim3A_16 {strides = array<i32>} : memref<1024x1024xf32, #tpu.memory_space<vmem>>, vector<1024x1024xf32>,
      %dma_start3A = arith.constant 0 : i32
      %dma_start3A_19 = arith.constant 0 : i32
      %dma_start3A_20 = tpu.memref_slice %arg23[%dma_start3A_19] : memref<4x!tpu.dma_semaphore, #tpu.memory_space<semaphore_mem>> -> memref<1x!tpu.dma_semaphore, #tpu.memory_space<semaphore_mem>>
      %dma_start3A_21 = tpu.memref_squeeze %dma_start3A_20 : memref<1x!tpu.dma_semaphore, #tpu.memory_space<semaphore_mem>> -> memref<!tpu.dma_semaphore, #tpu.memory_space<semaphore_mem>>
      %dma_start3A_22 = arith.constant 0 : i32
      %dma_start3A_23 = arith.constant 0 : i32
      %dma_start3A_24 = arith.constant 0 : i32
      %dma_start3A_25 = tpu.memref_slice %arg19[%dma_start3A, %dma_start3A_22, %dma_start3A_23, %dma_start3A_24] : memref<4x512x1x1024xf32, #tpu.memory_space<vmem>> -> memref<1x512x1x1024xf32, #tpu.memory_space<vmem>>
      %dma_start3A_26 = tpu.memref_squeeze %dma_start3A_25 : memref<1x512x1x1024xf32, #tpu.memory_space<vmem>> -> memref<512x1x1024xf32, #tpu.memory_space<vmem>>
      %dma_start3A_27 = arith.constant 2 : i32
      %dma_start3A_28 = arith.constant 0 : i32
      %dma_start3A_29 = arith.constant 0 : i32
      %dma_start3A_30 = tpu.memref_slice %arg16[%dma_start3A_27, %dma_start3A_28, %dma_start3A_29] : memref<522x64x1024xf32, #tpu.memory_space<any>> -> memref<512x1x1024xf32, #tpu.memory_space<any>>
      tpu.enqueue_dma source(%dma_start3A_30 : memref<512x1x1024xf32, #tpu.memory_space<any>>) target(%dma_start3A_26 : memref<512x1x1024xf32, #tpu.memory_space<vmem>>) target_semaphore(%dma_start3A_21 : memref<!tpu.dma_semaphore, #tpu.memory_space<semaphore_mem>>)
      %dma_start3A_31 = arith.constant 0 : i32
      %dma_start3A_32 = arith.constant 0 : i32
      %dma_start3A_33 = tpu.memref_slice %arg24[%dma_start3A_32] : memref<4x!tpu.dma_semaphore, #tpu.memory_space<semaphore_mem>> -> memref<1x!tpu.dma_semaphore, #tpu.memory_space<semaphore_mem>>
      %dma_start3A_34 = tpu.memref_squeeze %dma_start3A_33 : memref<1x!tpu.dma_semaphore, #tpu.memory_space<semaphore_mem>> -> memref<!tpu.dma_semaphore, #tpu.memory_space<semaphore_mem>>
      %dma_start3A_35 = arith.constant 0 : i32
      %dma_start3A_36 = arith.constant 0 : i32
      %dma_start3A_37 = arith.constant 0 : i32
      %dma_start3A_38 = tpu.memref_slice %arg20[%dma_start3A_31, %dma_start3A_35, %dma_start3A_36, %dma_start3A_37] : memref<4x1024x1x512xf32, #tpu.memory_space<vmem>> -> memref<1x1024x1x512xf32, #tpu.memory_space<vmem>>
      %dma_start3A_39 = tpu.memref_squeeze %dma_start3A_38 : memref<1x1024x1x512xf32, #tpu.memory_space<vmem>> -> memref<1024x1x512xf32, #tpu.memory_space<vmem>>
      %dma_start3A_40 = arith.constant 0 : i32
      %dma_start3A_41 = arith.constant 0 : i32
      %dma_start3A_42 = arith.constant 0 : i32
      %dma_start3A_43 = tpu.memref_slice %arg3[%dma_start3A_40, %dma_start3A_41, %dma_start3A_42] : memref<1024x64x512xf32, #tpu.memory_space<any>> -> memref<1024x1x512xf32, #tpu.memory_space<any>>
      tpu.enqueue_dma source(%dma_start3A_43 : memref<1024x1x512xf32, #tpu.memory_space<any>>) target(%dma_start3A_39 : memref<1024x1x512xf32, #tpu.memory_space<vmem>>) target_semaphore(%dma_start3A_34 : memref<!tpu.dma_semaphore, #tpu.memory_space<semaphore_mem>>)
      %dma_start3A_44 = arith.constant 1 : i32
      %dma_start3A_45 = arith.constant 1 : i32
      %dma_start3A_46 = tpu.memref_slice %arg23[%dma_start3A_45] : memref<4x!tpu.dma_semaphore, #tpu.memory_space<semaphore_mem>> -> memref<1x!tpu.dma_semaphore, #tpu.memory_space<semaphore_mem>>
      %dma_start3A_47 = tpu.memref_squeeze %dma_start3A_46 : memref<1x!tpu.dma_semaphore, #tpu.memory_space<semaphore_mem>> -> memref<!tpu.dma_semaphore, #tpu.memory_space<semaphore_mem>>
      %dma_start3A_48 = arith.constant 0 : i32
      %dma_start3A_49 = arith.constant 0 : i32
      %dma_start3A_50 = arith.constant 0 : i32
      %dma_start3A_51 = tpu.memref_slice %arg19[%dma_start3A_44, %dma_start3A_48, %dma_start3A_49, %dma_start3A_50] : memref<4x512x1x1024xf32, #tpu.memory_space<vmem>> -> memref<1x512x1x1024xf32, #tpu.memory_space<vmem>>
      %dma_start3A_52 = tpu.memref_squeeze %dma_start3A_51 : memref<1x512x1x1024xf32, #tpu.memory_space<vmem>> -> memref<512x1x1024xf32, #tpu.memory_space<vmem>>
      %dma_start3A_53 = arith.constant 2 : i32
      %dma_start3A_54 = arith.constant 1 : i32
      %dma_start3A_55 = arith.constant 0 : i32
      %dma_start3A_56 = tpu.memref_slice %arg16[%dma_start3A_53, %dma_start3A_54, %dma_start3A_55] : memref<522x64x1024xf32, #tpu.memory_space<any>> -> memref<512x1x1024xf32, #tpu.memory_space<any>>
      tpu.enqueue_dma source(%dma_start3A_56 : memref<512x1x1024xf32, #tpu.memory_space<any>>) target(%dma_start3A_52 : memref<512x1x1024xf32, #tpu.memory_space<vmem>>) target_semaphore(%dma_start3A_47 : memref<!tpu.dma_semaphore, #tpu.memory_space<semaphore_mem>>)
      %dma_start3A_57 = arith.constant 1 : i32
      %dma_start3A_58 = arith.constant 1 : i32
      %dma_start3A_59 = tpu.memref_slice %arg24[%dma_start3A_58] : memref<4x!tpu.dma_semaphore, #tpu.memory_space<semaphore_mem>> -> memref<1x!tpu.dma_semaphore, #tpu.memory_space<semaphore_mem>>
      %dma_start3A_60 = tpu.memref_squeeze %dma_start3A_59 : memref<1x!tpu.dma_semaphore, #tpu.memory_space<semaphore_mem>> -> memref<!tpu.dma_semaphore, #tpu.memory_space<semaphore_mem>>
      %dma_start3A_61 = arith.constant 0 : i32
      %dma_start3A_62 = arith.constant 0 : i32
      %dma_start3A_63 = arith.constant 0 : i32
      %dma_start3A_64 = tpu.memref_slice %arg20[%dma_start3A_57, %dma_start3A_61, %dma_start3A_62, %dma_start3A_63] : memref<4x1024x1x512xf32, #tpu.memory_space<vmem>> -> memref<1x1024x1x512xf32, #tpu.memory_space<vmem>>
      %dma_start3A_65 = tpu.memref_squeeze %dma_start3A_64 : memref<1x1024x1x512xf32, #tpu.memory_space<vmem>> -> memref<1024x1x512xf32, #tpu.memory_space<vmem>>
      %dma_start3A_66 = arith.constant 0 : i32
      %dma_start3A_67 = arith.constant 1 : i32
      %dma_start3A_68 = arith.constant 0 : i32
      %dma_start3A_69 = tpu.memref_slice %arg3[%dma_start3A_66, %dma_start3A_67, %dma_start3A_68] : memref<1024x64x512xf32, #tpu.memory_space<any>> -> memref<1024x1x512xf32, #tpu.memory_space<any>>
      tpu.enqueue_dma source(%dma_start3A_69 : memref<1024x1x512xf32, #tpu.memory_space<any>>) target(%dma_start3A_65 : memref<1024x1x512xf32, #tpu.memory_space<vmem>>) target_semaphore(%dma_start3A_60 : memref<!tpu.dma_semaphore, #tpu.memory_space<semaphore_mem>>)
      %dma_start3A_70 = arith.constant 2 : i32
      %dma_start3A_71 = arith.constant 2 : i32
      %dma_start3A_72 = tpu.memref_slice %arg23[%dma_start3A_71] : memref<4x!tpu.dma_semaphore, #tpu.memory_space<semaphore_mem>> -> memref<1x!tpu.dma_semaphore, #tpu.memory_space<semaphore_mem>>
      %dma_start3A_73 = tpu.memref_squeeze %dma_start3A_72 : memref<1x!tpu.dma_semaphore, #tpu.memory_space<semaphore_mem>> -> memref<!tpu.dma_semaphore, #tpu.memory_space<semaphore_mem>>
      %dma_start3A_74 = arith.constant 0 : i32
      %dma_start3A_75 = arith.constant 0 : i32
      %dma_start3A_76 = arith.constant 0 : i32
      %dma_start3A_77 = tpu.memref_slice %arg19[%dma_start3A_70, %dma_start3A_74, %dma_start3A_75, %dma_start3A_76] : memref<4x512x1x1024xf32, #tpu.memory_space<vmem>> -> memref<1x512x1x1024xf32, #tpu.memory_space<vmem>>
      %dma_start3A_78 = tpu.memref_squeeze %dma_start3A_77 : memref<1x512x1x1024xf32, #tpu.memory_space<vmem>> -> memref<512x1x1024xf32, #tpu.memory_space<vmem>>
      %dma_start3A_79 = arith.constant 2 : i32
      %dma_start3A_80 = arith.constant 2 : i32
      %dma_start3A_81 = arith.constant 0 : i32
      %dma_start3A_82 = tpu.memref_slice %arg16[%dma_start3A_79, %dma_start3A_80, %dma_start3A_81] : memref<522x64x1024xf32, #tpu.memory_space<any>> -> memref<512x1x1024xf32, #tpu.memory_space<any>>
      tpu.enqueue_dma source(%dma_start3A_82 : memref<512x1x1024xf32, #tpu.memory_space<any>>) target(%dma_start3A_78 : memref<512x1x1024xf32, #tpu.memory_space<vmem>>) target_semaphore(%dma_start3A_73 : memref<!tpu.dma_semaphore, #tpu.memory_space<semaphore_mem>>)
      %dma_start3A_83 = arith.constant 2 : i32
      %dma_start3A_84 = arith.constant 2 : i32
      %dma_start3A_85 = tpu.memref_slice %arg24[%dma_start3A_84] : memref<4x!tpu.dma_semaphore, #tpu.memory_space<semaphore_mem>> -> memref<1x!tpu.dma_semaphore, #tpu.memory_space<semaphore_mem>>
      %dma_start3A_86 = tpu.memref_squeeze %dma_start3A_85 : memref<1x!tpu.dma_semaphore, #tpu.memory_space<semaphore_mem>> -> memref<!tpu.dma_semaphore, #tpu.memory_space<semaphore_mem>>
      %dma_start3A_87 = arith.constant 0 : i32
      %dma_start3A_88 = arith.constant 0 : i32
      %dma_start3A_89 = arith.constant 0 : i32
      %dma_start3A_90 = tpu.memref_slice %arg20[%dma_start3A_83, %dma_start3A_87, %dma_start3A_88, %dma_start3A_89] : memref<4x1024x1x512xf32, #tpu.memory_space<vmem>> -> memref<1x1024x1x512xf32, #tpu.memory_space<vmem>>
      %dma_start3A_91 = tpu.memref_squeeze %dma_start3A_90 : memref<1x1024x1x512xf32, #tpu.memory_space<vmem>> -> memref<1024x1x512xf32, #tpu.memory_space<vmem>>
      %dma_start3A_92 = arith.constant 0 : i32
      %dma_start3A_93 = arith.constant 2 : i32
      %dma_start3A_94 = arith.constant 0 : i32
      %dma_start3A_95 = tpu.memref_slice %arg3[%dma_start3A_92, %dma_start3A_93, %dma_start3A_94] : memref<1024x64x512xf32, #tpu.memory_space<any>> -> memref<1024x1x512xf32, #tpu.memory_space<any>>
      tpu.enqueue_dma source(%dma_start3A_95 : memref<1024x1x512xf32, #tpu.memory_space<any>>) target(%dma_start3A_91 : memref<1024x1x512xf32, #tpu.memory_space<vmem>>) target_semaphore(%dma_start3A_86 : memref<!tpu.dma_semaphore, #tpu.memory_space<semaphore_mem>>)
      %dma_start3A_96 = arith.constant 3 : i32
      %dma_start3A_97 = arith.constant 3 : i32
      %dma_start3A_98 = tpu.memref_slice %arg23[%dma_start3A_97] : memref<4x!tpu.dma_semaphore, #tpu.memory_space<semaphore_mem>> -> memref<1x!tpu.dma_semaphore, #tpu.memory_space<semaphore_mem>>
      %dma_start3A_99 = tpu.memref_squeeze %dma_start3A_98 : memref<1x!tpu.dma_semaphore, #tpu.memory_space<semaphore_mem>> -> memref<!tpu.dma_semaphore, #tpu.memory_space<semaphore_mem>>
      %dma_start3A_100 = arith.constant 0 : i32
      %dma_start3A_101 = arith.constant 0 : i32
      %dma_start3A_102 = arith.constant 0 : i32
      %dma_start3A_103 = tpu.memref_slice %arg19[%dma_start3A_96, %dma_start3A_100, %dma_start3A_101, %dma_start3A_102] : memref<4x512x1x1024xf32, #tpu.memory_space<vmem>> -> memref<1x512x1x1024xf32, #tpu.memory_space<vmem>>
      %dma_start3A_104 = tpu.memref_squeeze %dma_start3A_103 : memref<1x512x1x1024xf32, #tpu.memory_space<vmem>> -> memref<512x1x1024xf32, #tpu.memory_space<vmem>>
      %dma_start3A_105 = arith.constant 2 : i32
      %dma_start3A_106 = arith.constant 3 : i32
      %dma_start3A_107 = arith.constant 0 : i32
      %dma_start3A_108 = tpu.memref_slice %arg16[%dma_start3A_105, %dma_start3A_106, %dma_start3A_107] : memref<522x64x1024xf32, #tpu.memory_space<any>> -> memref<512x1x1024xf32, #tpu.memory_space<any>>
      tpu.enqueue_dma source(%dma_start3A_108 : memref<512x1x1024xf32, #tpu.memory_space<any>>) target(%dma_start3A_104 : memref<512x1x1024xf32, #tpu.memory_space<vmem>>) target_semaphore(%dma_start3A_99 : memref<!tpu.dma_semaphore, #tpu.memory_space<semaphore_mem>>)
      %dma_start3A_109 = arith.constant 3 : i32
      %dma_start3A_110 = arith.constant 3 : i32
      %dma_start3A_111 = tpu.memref_slice %arg24[%dma_start3A_110] : memref<4x!tpu.dma_semaphore, #tpu.memory_space<semaphore_mem>> -> memref<1x!tpu.dma_semaphore, #tpu.memory_space<semaphore_mem>>
      %dma_start3A_112 = tpu.memref_squeeze %dma_start3A_111 : memref<1x!tpu.dma_semaphore, #tpu.memory_space<semaphore_mem>> -> memref<!tpu.dma_semaphore, #tpu.memory_space<semaphore_mem>>
      %dma_start3A_113 = arith.constant 0 : i32
      %dma_start3A_114 = arith.constant 0 : i32
      %dma_start3A_115 = arith.constant 0 : i32
      %dma_start3A_116 = tpu.memref_slice %arg20[%dma_start3A_109, %dma_start3A_113, %dma_start3A_114, %dma_start3A_115] : memref<4x1024x1x512xf32, #tpu.memory_space<vmem>> -> memref<1x1024x1x512xf32, #tpu.memory_space<vmem>>
      %dma_start3A_117 = tpu.memref_squeeze %dma_start3A_116 : memref<1x1024x1x512xf32, #tpu.memory_space<vmem>> -> memref<1024x1x512xf32, #tpu.memory_space<vmem>>
      %dma_start3A_118 = arith.constant 0 : i32
      %dma_start3A_119 = arith.constant 3 : i32
      %dma_start3A_120 = arith.constant 0 : i32
      %dma_start3A_121 = tpu.memref_slice %arg3[%dma_start3A_118, %dma_start3A_119, %dma_start3A_120] : memref<1024x64x512xf32, #tpu.memory_space<any>> -> memref<1024x1x512xf32, #tpu.memory_space<any>>
      tpu.enqueue_dma source(%dma_start3A_121 : memref<1024x1x512xf32, #tpu.memory_space<any>>) target(%dma_start3A_117 : memref<1024x1x512xf32, #tpu.memory_space<vmem>>) target_semaphore(%dma_start3A_112 : memref<!tpu.dma_semaphore, #tpu.memory_space<semaphore_mem>>)
      %dma_start3A_122 = arith.constant 0 : i32
      %dma_start3A_123 = arith.constant 0 : i32
      %dma_start3A_124 = arith.constant 0 : i32
      %dma_start3A_125 = tpu.memref_slice %arg16[%dma_start3A_122, %dma_start3A_123, %dma_start3A_124] : memref<522x64x1024xf32, #tpu.memory_space<any>> -> memref<2x64x1024xf32, #tpu.memory_space<any>>
      tpu.enqueue_dma source(%dma_start3A_125 : memref<2x64x1024xf32, #tpu.memory_space<any>>) target(%arg21 : memref<2x64x1024xf32, #tpu.memory_space<vmem>>) target_semaphore(%arg25 : memref<!tpu.dma_semaphore, #tpu.memory_space<semaphore_mem>>)
      %dma_start3A_126 = arith.constant 514 : i32
      %dma_start3A_127 = arith.constant 0 : i32
      %dma_start3A_128 = arith.constant 0 : i32
      %dma_start3A_129 = tpu.memref_slice %arg16[%dma_start3A_126, %dma_start3A_127, %dma_start3A_128] : memref<522x64x1024xf32, #tpu.memory_space<any>> -> memref<8x64x1024xf32, #tpu.memory_space<any>>
      tpu.enqueue_dma source(%dma_start3A_129 : memref<8x64x1024xf32, #tpu.memory_space<any>>) target(%arg22 : memref<8x64x1024xf32, #tpu.memory_space<vmem>>) target_semaphore(%arg26 : memref<!tpu.dma_semaphore, #tpu.memory_space<semaphore_mem>>)
    } else {
    }
    %le3A = arith.constant 63 : i32
    %le3A_2 = arith.cmpi sle, %arg0, %le3A : i32
    %convert_element_type3A_3 = arith.extui %le3A_2 : i1 to i32
    %cond3A_4 = arith.constant 0 : i32
    %cond3A_5 = arith.cmpi ne, %convert_element_type3A_3, %cond3A_4 : i32
    scf.if %cond3A_5 {
      %rem3A = arith.constant 4 : i32
      %rem3A_16 = arith.remsi %arg0, %rem3A : i32
      %dma_wait3A = tpu.memref_slice %arg23[%rem3A_16] : memref<4x!tpu.dma_semaphore, #tpu.memory_space<semaphore_mem>> -> memref<1x!tpu.dma_semaphore, #tpu.memory_space<semaphore_mem>>
      %dma_wait3A_17 = tpu.memref_squeeze %dma_wait3A : memref<1x!tpu.dma_semaphore, #tpu.memory_space<semaphore_mem>> -> memref<!tpu.dma_semaphore, #tpu.memory_space<semaphore_mem>>
      %dma_wait3A_18 = arith.constant 0 : i32
      %dma_wait3A_19 = arith.constant 0 : i32
      %dma_wait3A_20 = arith.constant 0 : i32
      %dma_wait3A_21 = tpu.memref_slice %arg19[%rem3A_16, %dma_wait3A_18, %dma_wait3A_19, %dma_wait3A_20] : memref<4x512x1x1024xf32, #tpu.memory_space<vmem>> -> memref<1x512x1x1024xf32, #tpu.memory_space<vmem>>
      %dma_wait3A_22 = tpu.memref_squeeze %dma_wait3A_21 : memref<1x512x1x1024xf32, #tpu.memory_space<vmem>> -> memref<512x1x1024xf32, #tpu.memory_space<vmem>>
      %dma_wait3A_23 = arith.constant 2 : i32
      %dma_wait3A_24 = arith.constant 0 : i32
      %dma_wait3A_25 = tpu.memref_slice %arg16[%dma_wait3A_23, %arg0, %dma_wait3A_24] : memref<522x64x1024xf32, #tpu.memory_space<any>> -> memref<512x1x1024xf32, #tpu.memory_space<any>>
      tpu.wait_dma2 semaphore(%dma_wait3A_17 : memref<!tpu.dma_semaphore, #tpu.memory_space<semaphore_mem>>) src(%dma_wait3A_25 : memref<512x1x1024xf32, #tpu.memory_space<any>>) dst(%dma_wait3A_22 : memref<512x1x1024xf32, #tpu.memory_space<vmem>>)
      %dma_wait3A_26 = tpu.memref_slice %arg24[%rem3A_16] : memref<4x!tpu.dma_semaphore, #tpu.memory_space<semaphore_mem>> -> memref<1x!tpu.dma_semaphore, #tpu.memory_space<semaphore_mem>>
      %dma_wait3A_27 = tpu.memref_squeeze %dma_wait3A_26 : memref<1x!tpu.dma_semaphore, #tpu.memory_space<semaphore_mem>> -> memref<!tpu.dma_semaphore, #tpu.memory_space<semaphore_mem>>
      %dma_wait3A_28 = arith.constant 0 : i32
      %dma_wait3A_29 = arith.constant 0 : i32
      %dma_wait3A_30 = arith.constant 0 : i32
      %dma_wait3A_31 = tpu.memref_slice %arg20[%rem3A_16, %dma_wait3A_28, %dma_wait3A_29, %dma_wait3A_30] : memref<4x1024x1x512xf32, #tpu.memory_space<vmem>> -> memref<1x1024x1x512xf32, #tpu.memory_space<vmem>>
      %dma_wait3A_32 = tpu.memref_squeeze %dma_wait3A_31 : memref<1x1024x1x512xf32, #tpu.memory_space<vmem>> -> memref<1024x1x512xf32, #tpu.memory_space<vmem>>
      %dma_wait3A_33 = arith.constant 0 : i32
      %dma_wait3A_34 = arith.constant 0 : i32
      %dma_wait3A_35 = tpu.memref_slice %arg3[%dma_wait3A_33, %arg0, %dma_wait3A_34] : memref<1024x64x512xf32, #tpu.memory_space<any>> -> memref<1024x1x512xf32, #tpu.memory_space<any>>
      tpu.wait_dma2 semaphore(%dma_wait3A_27 : memref<!tpu.dma_semaphore, #tpu.memory_space<semaphore_mem>>) src(%dma_wait3A_35 : memref<1024x1x512xf32, #tpu.memory_space<any>>) dst(%dma_wait3A_32 : memref<1024x1x512xf32, #tpu.memory_space<vmem>>)
      %get3A = arith.index_cast %arg0 : i32 to index
      %get3A_36 = memref.load %arg1[%get3A] : memref<64xf32, #tpu.memory_space<smem>>
      %get3A_37 = arith.index_cast %arg0 : i32 to index
      %get3A_38 = memref.load %arg2[%get3A_37] : memref<64xf32, #tpu.memory_space<smem>>
      %get3A_39 = arith.constant 0 : index
      %get3A_40 = arith.constant 0 : index
      %get3A_41 = vector.load %arg4[%get3A_39, %get3A_40] : memref<1024x512xf32, #tpu.memory_space<vmem>>, vector<1024x512xf32>
      %get3A_42 = arith.index_cast %rem3A_16 : i32 to index
      %get3A_43 = arith.constant 0 : index
      %get3A_44 = arith.constant 0 : index
      %get3A_45 = arith.constant 0 : index
      %get3A_46 = vector.load %arg20[%get3A_42, %get3A_43, %get3A_44, %get3A_45] : memref<4x1024x1x512xf32, #tpu.memory_space<vmem>>, vector<1x1024x1x512xf32>
      %get3A_47 = vector.shape_cast %get3A_46 : vector<1x1024x1x512xf32> to vector<1024x1x512xf32>
      %reshape3A = vector.shape_cast %get3A_47 : vector<1024x1x512xf32> to vector<1024x512xf32>
      %mul3A = vector.broadcast %get3A_36 : f32 to vector<1024x512xf32>
      %mul3A_48 = arith.mulf %reshape3A, %mul3A : vector<1024x512xf32>
      %add3A = vector.broadcast %get3A_38 : f32 to vector<1024x512xf32>
      %add3A_49 = arith.addf %mul3A_48, %add3A : vector<1024x512xf32>
      %mul3A_50 = arith.mulf %get3A_41, %add3A_49 : vector<1024x512xf32>
      %get3A_51 = arith.index_cast %rem3A_16 : i32 to index
      %get3A_52 = arith.constant 0 : index
      %get3A_53 = arith.constant 0 : index
      %get3A_54 = arith.constant 0 : index
      %get3A_55 = vector.load %arg19[%get3A_51, %get3A_52, %get3A_53, %get3A_54] : memref<4x512x1x1024xf32, #tpu.memory_space<vmem>>, vector<1x512x1x1024xf32>
      %get3A_56 = vector.shape_cast %get3A_55 : vector<1x512x1x1024xf32> to vector<512x1x1024xf32>
      %reshape3A_57 = vector.shape_cast %get3A_56 : vector<512x1x1024xf32> to vector<512x1024xf32>
      %get3A_58 = arith.constant 0 : index
      %get3A_59 = arith.constant 0 : index
      %get3A_60 = vector.load %arg18[%get3A_58, %get3A_59] : memref<1024x1024xf32, #tpu.memory_space<vmem>>, vector<1024x1024xf32>
      %dot_general3A = arith.constant dense<0.000000e+00> : vector<1024x1024xf32>
      %dot_general3A_61 = tpu.matmul %mul3A_50, %reshape3A_57, %dot_general3A {dimension_numbers = #tpu.dot_dimension_numbers<[1], [0], [0], [1], [0, 0, 1, 1], [], []>, transpose_lhs_hint = false} : vector<1024x512xf32>, vector<512x1024xf32>, vector<1024x1024xf32> -> vector<1024x1024xf32>
      %add3A_62 = arith.addf %get3A_60, %dot_general3A_61 : vector<1024x1024xf32>
      %swap3A = arith.constant 0 : index
      %swap3A_63 = arith.constant 0 : index
      %swap3A_64 = vector.load %arg18[%swap3A, %swap3A_63] : memref<1024x1024xf32, #tpu.memory_space<vmem>>, vector<1024x1024xf32>
      tpu.vector_store %arg18[%swap3A, %swap3A_63], %add3A_62 {strides = array<i32>} : memref<1024x1024xf32, #tpu.memory_space<vmem>>, vector<1024x1024xf32>,
      %le3A_65 = arith.constant 59 : i32
      %le3A_66 = arith.cmpi sle, %arg0, %le3A_65 : i32
      %convert_element_type3A_67 = arith.extui %le3A_66 : i1 to i32
      %cond3A_68 = arith.constant 0 : i32
      %cond3A_69 = arith.cmpi ne, %convert_element_type3A_67, %cond3A_68 : i32
      scf.if %cond3A_69 {
        %add3A_70 = arith.constant 4 : i32
        %add3A_71 = arith.addi %arg0, %add3A_70 : i32
        %dma_start3A = tpu.memref_slice %arg23[%rem3A_16] : memref<4x!tpu.dma_semaphore, #tpu.memory_space<semaphore_mem>> -> memref<1x!tpu.dma_semaphore, #tpu.memory_space<semaphore_mem>>
        %dma_start3A_72 = tpu.memref_squeeze %dma_start3A : memref<1x!tpu.dma_semaphore, #tpu.memory_space<semaphore_mem>> -> memref<!tpu.dma_semaphore, #tpu.memory_space<semaphore_mem>>
        %dma_start3A_73 = arith.constant 0 : i32
        %dma_start3A_74 = arith.constant 0 : i32
        %dma_start3A_75 = arith.constant 0 : i32
        %dma_start3A_76 = tpu.memref_slice %arg19[%rem3A_16, %dma_start3A_73, %dma_start3A_74, %dma_start3A_75] : memref<4x512x1x1024xf32, #tpu.memory_space<vmem>> -> memref<1x512x1x1024xf32, #tpu.memory_space<vmem>>
        %dma_start3A_77 = tpu.memref_squeeze %dma_start3A_76 : memref<1x512x1x1024xf32, #tpu.memory_space<vmem>> -> memref<512x1x1024xf32, #tpu.memory_space<vmem>>
        %dma_start3A_78 = arith.constant 2 : i32
        %dma_start3A_79 = arith.constant 0 : i32
        %dma_start3A_80 = tpu.memref_slice %arg16[%dma_start3A_78, %add3A_71, %dma_start3A_79] : memref<522x64x1024xf32, #tpu.memory_space<any>> -> memref<512x1x1024xf32, #tpu.memory_space<any>>
        tpu.enqueue_dma source(%dma_start3A_80 : memref<512x1x1024xf32, #tpu.memory_space<any>>) target(%dma_start3A_77 : memref<512x1x1024xf32, #tpu.memory_space<vmem>>) target_semaphore(%dma_start3A_72 : memref<!tpu.dma_semaphore, #tpu.memory_space<semaphore_mem>>)
        %add3A_81 = arith.constant 4 : i32
        %add3A_82 = arith.addi %arg0, %add3A_81 : i32
        %dma_start3A_83 = tpu.memref_slice %arg24[%rem3A_16] : memref<4x!tpu.dma_semaphore, #tpu.memory_space<semaphore_mem>> -> memref<1x!tpu.dma_semaphore, #tpu.memory_space<semaphore_mem>>
        %dma_start3A_84 = tpu.memref_squeeze %dma_start3A_83 : memref<1x!tpu.dma_semaphore, #tpu.memory_space<semaphore_mem>> -> memref<!tpu.dma_semaphore, #tpu.memory_space<semaphore_mem>>
        %dma_start3A_85 = arith.constant 0 : i32
        %dma_start3A_86 = arith.constant 0 : i32
        %dma_start3A_87 = arith.constant 0 : i32
        %dma_start3A_88 = tpu.memref_slice %arg20[%rem3A_16, %dma_start3A_85, %dma_start3A_86, %dma_start3A_87] : memref<4x1024x1x512xf32, #tpu.memory_space<vmem>> -> memref<1x1024x1x512xf32, #tpu.memory_space<vmem>>
        %dma_start3A_89 = tpu.memref_squeeze %dma_start3A_88 : memref<1x1024x1x512xf32, #tpu.memory_space<vmem>> -> memref<1024x1x512xf32, #tpu.memory_space<vmem>>
        %dma_start3A_90 = arith.constant 0 : i32
        %dma_start3A_91 = arith.constant 0 : i32
        %dma_start3A_92 = tpu.memref_slice %arg3[%dma_start3A_90, %add3A_82, %dma_start3A_91] : memref<1024x64x512xf32, #tpu.memory_space<any>> -> memref<1024x1x512xf32, #tpu.memory_space<any>>
        tpu.enqueue_dma source(%dma_start3A_92 : memref<1024x1x512xf32, #tpu.memory_space<any>>) target(%dma_start3A_89 : memref<1024x1x512xf32, #tpu.memory_space<vmem>>) target_semaphore(%dma_start3A_84 : memref<!tpu.dma_semaphore, #tpu.memory_space<semaphore_mem>>)
      } else {
      }
    } else {
    }
    %eq3A_6 = arith.constant 64 : i32
    %eq3A_7 = arith.cmpi eq, %arg0, %eq3A_6 : i32
    %convert_element_type3A_8 = arith.extui %eq3A_7 : i1 to i32
    %cond3A_9 = arith.constant 0 : i32
    %cond3A_10 = arith.cmpi ne, %convert_element_type3A_8, %cond3A_9 : i32
    scf.if %cond3A_10 {
      %dma_wait3A = arith.constant 0 : i32
      %dma_wait3A_16 = arith.constant 0 : i32
      %dma_wait3A_17 = arith.constant 0 : i32
      %dma_wait3A_18 = tpu.memref_slice %arg16[%dma_wait3A, %dma_wait3A_16, %dma_wait3A_17] : memref<522x64x1024xf32, #tpu.memory_space<any>> -> memref<2x64x1024xf32, #tpu.memory_space<any>>
      tpu.wait_dma2 semaphore(%arg25 : memref<!tpu.dma_semaphore, #tpu.memory_space<semaphore_mem>>) src(%dma_wait3A_18 : memref<2x64x1024xf32, #tpu.memory_space<any>>) dst(%arg21 : memref<2x64x1024xf32, #tpu.memory_space<vmem>>)
      %get3A = arith.constant 0 : index
      %get3A_19 = arith.constant 64 : index
      %get3A_20 = vector.load %arg5[%get3A, %get3A_19] : memref<1024x128xf32, #tpu.memory_space<vmem>>, vector<1024x64xf32>
      %get3A_21 = arith.constant 0 : index
      %get3A_22 = arith.constant 0 : index
      %get3A_23 = vector.load %arg7[%get3A_21, %get3A_22] : memref<1x64xf32, #tpu.memory_space<vmem>>, vector<1x64xf32>
      %mul3A = vector.broadcast %get3A_23 : vector<1x64xf32> to vector<1024x64xf32>
      %mul3A_24 = arith.mulf %get3A_20, %mul3A : vector<1024x64xf32>
      %get3A_25 = arith.constant 0 : index
      %get3A_26 = arith.constant 0 : index
      %get3A_27 = vector.load %arg8[%get3A_25, %get3A_26] : memref<1x64xf32, #tpu.memory_space<vmem>>, vector<1x64xf32>
      %add3A = vector.broadcast %get3A_27 : vector<1x64xf32> to vector<1024x64xf32>
      %add3A_28 = arith.addf %mul3A_24, %add3A : vector<1024x64xf32>
      %get3A_29 = arith.constant 0 : index
      %get3A_30 = arith.constant 0 : index
      %get3A_31 = vector.load %arg5[%get3A_29, %get3A_30] : memref<1024x128xf32, #tpu.memory_space<vmem>>, vector<1024x64xf32>
      %get3A_32 = arith.constant 0 : index
      %get3A_33 = arith.constant 0 : index
      %get3A_34 = vector.load %arg9[%get3A_32, %get3A_33] : memref<1x64xf32, #tpu.memory_space<vmem>>, vector<1x64xf32>
      %mul3A_35 = vector.broadcast %get3A_34 : vector<1x64xf32> to vector<1024x64xf32>
      %mul3A_36 = arith.mulf %get3A_31, %mul3A_35 : vector<1024x64xf32>
      %get3A_37 = arith.constant 0 : index
      %get3A_38 = arith.constant 0 : index
      %get3A_39 = vector.load %arg10[%get3A_37, %get3A_38] : memref<1x64xf32, #tpu.memory_space<vmem>>, vector<1x64xf32>
      %add3A_40 = vector.broadcast %get3A_39 : vector<1x64xf32> to vector<1024x64xf32>
      %add3A_41 = arith.addf %mul3A_36, %add3A_40 : vector<1024x64xf32>
      %concatenate3A = tpu.concatenate %add3A_28, %add3A_41 in 1 : vector<1024x64xf32>, vector<1024x64xf32> -> vector<1024x128xf32>
      %get3A_42 = arith.constant 0 : index
      %get3A_43 = arith.constant 0 : index
      %get3A_44 = arith.constant 0 : index
      %get3A_45 = vector.load %arg21[%get3A_42, %get3A_43, %get3A_44] : memref<2x64x1024xf32, #tpu.memory_space<vmem>>, vector<2x64x1024xf32>
      %reshape3A = vector.shape_cast %get3A_45 : vector<2x64x1024xf32> to vector<128x1024xf32>
      %get3A_46 = arith.constant 0 : index
      %get3A_47 = arith.constant 0 : index
      %get3A_48 = vector.load %arg18[%get3A_46, %get3A_47] : memref<1024x1024xf32, #tpu.memory_space<vmem>>, vector<1024x1024xf32>
      %dot_general3A = arith.constant dense<0.000000e+00> : vector<1024x1024xf32>
      %dot_general3A_49 = tpu.matmul %concatenate3A, %reshape3A, %dot_general3A {dimension_numbers = #tpu.dot_dimension_numbers<[1], [0], [0], [1], [0, 0, 1, 1], [], []>, transpose_lhs_hint = false} : vector<1024x128xf32>, vector<128x1024xf32>, vector<1024x1024xf32> -> vector<1024x1024xf32>
      %add3A_50 = arith.addf %get3A_48, %dot_general3A_49 : vector<1024x1024xf32>
      %swap3A = arith.constant 0 : index
      %swap3A_51 = arith.constant 0 : index
      %swap3A_52 = vector.load %arg18[%swap3A, %swap3A_51] : memref<1024x1024xf32, #tpu.memory_space<vmem>>, vector<1024x1024xf32>
      tpu.vector_store %arg18[%swap3A, %swap3A_51], %add3A_50 {strides = array<i32>} : memref<1024x1024xf32, #tpu.memory_space<vmem>>, vector<1024x1024xf32>,
    } else {
    }
    %eq3A_11 = arith.constant 65 : i32
    %eq3A_12 = arith.cmpi eq, %arg0, %eq3A_11 : i32
    %convert_element_type3A_13 = arith.extui %eq3A_12 : i1 to i32
    %cond3A_14 = arith.constant 0 : i32
    %cond3A_15 = arith.cmpi ne, %convert_element_type3A_13, %cond3A_14 : i32
    scf.if %cond3A_15 {
      %dma_wait3A = arith.constant 514 : i32
      %dma_wait3A_16 = arith.constant 0 : i32
      %dma_wait3A_17 = arith.constant 0 : i32
      %dma_wait3A_18 = tpu.memref_slice %arg16[%dma_wait3A, %dma_wait3A_16, %dma_wait3A_17] : memref<522x64x1024xf32, #tpu.memory_space<any>> -> memref<8x64x1024xf32, #tpu.memory_space<any>>
      tpu.wait_dma2 semaphore(%arg26 : memref<!tpu.dma_semaphore, #tpu.memory_space<semaphore_mem>>) src(%dma_wait3A_18 : memref<8x64x1024xf32, #tpu.memory_space<any>>) dst(%arg22 : memref<8x64x1024xf32, #tpu.memory_space<vmem>>)
      %get3A = arith.constant 0 : index
      %get3A_19 = arith.constant 0 : index
      %get3A_20 = arith.constant 0 : index
      %get3A_21 = vector.load %arg22[%get3A, %get3A_19, %get3A_20] : memref<8x64x1024xf32, #tpu.memory_space<vmem>>, vector<8x64x1024xf32>
      %reshape3A = vector.shape_cast %get3A_21 : vector<8x64x1024xf32> to vector<512x1024xf32>
      %get3A_22 = arith.constant 0 : index
      %get3A_23 = arith.constant 0 : index
      %get3A_24 = vector.load %arg18[%get3A_22, %get3A_23] : memref<1024x1024xf32, #tpu.memory_space<vmem>>, vector<1024x1024xf32>
      %get3A_25 = arith.constant 0 : index
      %get3A_26 = arith.constant 0 : index
      %get3A_27 = vector.load %arg6[%get3A_25, %get3A_26] : memref<1024x512xf32, #tpu.memory_space<vmem>>, vector<1024x512xf32>
      %dot_general3A = arith.constant dense<0.000000e+00> : vector<1024x1024xf32>
      %dot_general3A_28 = tpu.matmul %get3A_27, %reshape3A, %dot_general3A {dimension_numbers = #tpu.dot_dimension_numbers<[1], [0], [0], [1], [0, 0, 1, 1], [], []>, transpose_lhs_hint = false} : vector<1024x512xf32>, vector<512x1024xf32>, vector<1024x1024xf32> -> vector<1024x1024xf32>
      %add3A = arith.addf %get3A_24, %dot_general3A_28 : vector<1024x1024xf32>
      %swap3A = arith.constant 0 : index
      %swap3A_29 = arith.constant 0 : index
      %swap3A_30 = vector.load %arg18[%swap3A, %swap3A_29] : memref<1024x1024xf32, #tpu.memory_space<vmem>>, vector<1024x1024xf32>
      tpu.vector_store %arg18[%swap3A, %swap3A_29], %add3A {strides = array<i32>} : memref<1024x1024xf32, #tpu.memory_space<vmem>>, vector<1024x1024xf32>,
      %get3A_31 = arith.constant 0 : index
      %get3A_32 = arith.constant 0 : index
      %get3A_33 = vector.load %arg18[%get3A_31, %get3A_32] : memref<1024x1024xf32, #tpu.memory_space<vmem>>, vector<1024x1024xf32>
      %get3A_34 = arith.constant 0 : index
      %get3A_35 = arith.constant 0 : index
      %get3A_36 = vector.load %arg11[%get3A_34, %get3A_35] : memref<1x1024xf32, #tpu.memory_space<vmem>>, vector<1x1024xf32>
      %add3A_37 = vector.broadcast %get3A_36 : vector<1x1024xf32> to vector<1024x1024xf32>
      %add3A_38 = arith.addf %get3A_33, %add3A_37 : vector<1024x1024xf32>
      %gt3A = arith.constant 0.000000e+00 : f32
      %gt3A_39 = vector.broadcast %gt3A : f32 to vector<1024x1024xf32>
      %gt3A_40 = arith.cmpf ogt, %add3A_38, %gt3A_39 : vector<1024x1024xf32>
      %min3A = arith.constant 0.000000e+00 : f32
      %min3A_41 = vector.broadcast %min3A : f32 to vector<1024x1024xf32>
      %min3A_42 = arith.minimumf %add3A_38, %min3A_41 : vector<1024x1024xf32>
      %exp3A = math.exp %min3A_42 : vector<1024x1024xf32>
      %sub3A = arith.constant 1.000000e+00 : f32
      %sub3A_43 = vector.broadcast %sub3A : f32 to vector<1024x1024xf32>
      %sub3A_44 = arith.subf %exp3A, %sub3A_43 : vector<1024x1024xf32>
      %select_n3A = arith.select %gt3A_40, %add3A_38, %sub3A_44 : vector<1024x1024xi1>, vector<1024x1024xf32>
      %reduce_sum3A = arith.constant dense<0.000000e+00> : vector<1024xf32>
      %reduce_sum3A_45 = vector.multi_reduction <add>, %select_n3A, %reduce_sum3A [1] : vector<1024x1024xf32> to vector<1024xf32>
      %broadcast_in_dim3A = vector.shape_cast %reduce_sum3A_45 : vector<1024xf32> to vector<1024x1xf32>
      %div3A = arith.constant 1.024000e+03 : f32
      %div3A_46 = vector.broadcast %div3A : f32 to vector<1024x1xf32>
      %div3A_47 = arith.divf %broadcast_in_dim3A, %div3A_46 : vector<1024x1xf32>
      %sub3A_48 = vector.broadcast %div3A_47 : vector<1024x1xf32> to vector<1024x1024xf32>
      %sub3A_49 = arith.subf %select_n3A, %sub3A_48 : vector<1024x1024xf32>
      %mul3A = arith.mulf %sub3A_49, %sub3A_49 : vector<1024x1024xf32>
      %reduce_sum3A_50 = arith.constant dense<0.000000e+00> : vector<1024xf32>
      %reduce_sum3A_51 = vector.multi_reduction <add>, %mul3A, %reduce_sum3A_50 [1] : vector<1024x1024xf32> to vector<1024xf32>
      %broadcast_in_dim3A_52 = vector.shape_cast %reduce_sum3A_51 : vector<1024xf32> to vector<1024x1xf32>
      %div3A_53 = arith.constant 1.024000e+03 : f32
      %div3A_54 = vector.broadcast %div3A_53 : f32 to vector<1024x1xf32>
      %div3A_55 = arith.divf %broadcast_in_dim3A_52, %div3A_54 : vector<1024x1xf32>
      %add3A_56 = arith.constant 9.99999974E-6 : f32
      %add3A_57 = vector.broadcast %add3A_56 : f32 to vector<1024x1xf32>
      %add3A_58 = arith.addf %div3A_55, %add3A_57 : vector<1024x1xf32>
      %rsqrt3A = math.rsqrt %add3A_58 : vector<1024x1xf32>
      %mul3A_59 = vector.broadcast %rsqrt3A : vector<1024x1xf32> to vector<1024x1024xf32>
      %mul3A_60 = arith.mulf %sub3A_49, %mul3A_59 : vector<1024x1024xf32>
      %get3A_61 = arith.constant 0 : index
      %get3A_62 = arith.constant 0 : index
      %get3A_63 = vector.load %arg12[%get3A_61, %get3A_62] : memref<1x1024xf32, #tpu.memory_space<vmem>>, vector<1x1024xf32>
      %mul3A_64 = vector.broadcast %get3A_63 : vector<1x1024xf32> to vector<1024x1024xf32>
      %mul3A_65 = arith.mulf %mul3A_60, %mul3A_64 : vector<1024x1024xf32>
      %get3A_66 = arith.constant 0 : index
      %get3A_67 = arith.constant 0 : index
      %get3A_68 = vector.load %arg13[%get3A_66, %get3A_67] : memref<1x1024xf32, #tpu.memory_space<vmem>>, vector<1x1024xf32>
      %add3A_69 = vector.broadcast %get3A_68 : vector<1x1024xf32> to vector<1024x1024xf32>
      %add3A_70 = arith.addf %mul3A_65, %add3A_69 : vector<1024x1024xf32>
      %get3A_71 = arith.constant 0 : index
      %get3A_72 = arith.constant 0 : index
      %get3A_73 = vector.load %arg14[%get3A_71, %get3A_72] : memref<1024x512xf32, #tpu.memory_space<vmem>>, vector<1024x512xf32>
      %dot_general3A_74 = arith.constant dense<0.000000e+00> : vector<1024x512xf32>
      %dot_general3A_75 = tpu.matmul %add3A_70, %get3A_73, %dot_general3A_74 {dimension_numbers = #tpu.dot_dimension_numbers<[1], [0], [0], [1], [0, 0, 1, 1], [], []>, transpose_lhs_hint = false} : vector<1024x1024xf32>, vector<1024x512xf32>, vector<1024x512xf32> -> vector<1024x512xf32>
      %get3A_76 = arith.constant 0 : index
      %get3A_77 = arith.constant 0 : index
      %get3A_78 = vector.load %arg15[%get3A_76, %get3A_77] : memref<1x512xf32, #tpu.memory_space<vmem>>, vector<1x512xf32>
      %add3A_79 = vector.broadcast %get3A_78 : vector<1x512xf32> to vector<1024x512xf32>
      %add3A_80 = arith.addf %dot_general3A_75, %add3A_79 : vector<1024x512xf32>
      %swap3A_81 = arith.constant 0 : index
      %swap3A_82 = arith.constant 0 : index
      %swap3A_83 = vector.load %arg17[%swap3A_81, %swap3A_82] : memref<1024x512xf32, #tpu.memory_space<vmem>>, vector<1024x512xf32>
      tpu.vector_store %arg17[%swap3A_81, %swap3A_82], %add3A_80 {strides = array<i32>} : memref<1024x512xf32, #tpu.memory_space<vmem>>, vector<1024x512xf32>,
    } else {
    }
    return
  }
  func.func @transform_0(%arg0: i32) -> i32 {
    %c0_i32 = arith.constant 0 : i32
    %c0_i32_0 = arith.constant 0 : i32
    return %c0_i32 : i32
  }
  func.func @transform_1(%arg0: i32) -> i32 {
    %c0_i32 = arith.constant 0 : i32
    %c0_i32_0 = arith.constant 0 : i32
    return %c0_i32 : i32
  }
  func.func @transform_3(%arg0: i32) -> (i32, i32) {
    %c0_i32 = arith.constant 0 : i32
    %c0_i32_0 = arith.constant 0 : i32
    %c0_i32_1 = arith.constant 0 : i32
    return %c0_i32, %c0_i32_0 : i32, i32
  }
  func.func @transform_4(%arg0: i32) -> (i32, i32) {
    %c0_i32 = arith.constant 0 : i32
    %c0_i32_0 = arith.constant 0 : i32
    %c0_i32_1 = arith.constant 0 : i32
    return %c0_i32, %c0_i32_0 : i32, i32
  }
  func.func @transform_5(%arg0: i32) -> (i32, i32) {
    %c0_i32 = arith.constant 0 : i32
    %c0_i32_0 = arith.constant 0 : i32
    %c0_i32_1 = arith.constant 0 : i32
    return %c0_i32, %c0_i32_0 : i32, i32
  }
  func.func @transform_6(%arg0: i32) -> (i32, i32) {
    %c0_i32 = arith.constant 0 : i32
    %c0_i32_0 = arith.constant 0 : i32
    %c0_i32_1 = arith.constant 0 : i32
    return %c0_i32, %c0_i32_0 : i32, i32
  }
  func.func @transform_7(%arg0: i32) -> (i32, i32) {
    %c0_i32 = arith.constant 0 : i32
    %c0_i32_0 = arith.constant 0 : i32
    %c0_i32_1 = arith.constant 0 : i32
    return %c0_i32, %c0_i32_0 : i32, i32
  }
  func.func @transform_8(%arg0: i32) -> (i32, i32) {
    %c0_i32 = arith.constant 0 : i32
    %c0_i32_0 = arith.constant 0 : i32
    %c0_i32_1 = arith.constant 0 : i32
    return %c0_i32, %c0_i32_0 : i32, i32
  }
  func.func @transform_9(%arg0: i32) -> (i32, i32) {
    %c0_i32 = arith.constant 0 : i32
    %c0_i32_0 = arith.constant 0 : i32
    %c0_i32_1 = arith.constant 0 : i32
    return %c0_i32, %c0_i32_0 : i32, i32
  }
  func.func @transform_10(%arg0: i32) -> (i32, i32) {
    %c0_i32 = arith.constant 0 : i32
    %c0_i32_0 = arith.constant 0 : i32
    %c0_i32_1 = arith.constant 0 : i32
    return %c0_i32, %c0_i32_0 : i32, i32
  }
  func.func @transform_11(%arg0: i32) -> (i32, i32) {
    %c0_i32 = arith.constant 0 : i32
    %c0_i32_0 = arith.constant 0 : i32
    %c0_i32_1 = arith.constant 0 : i32
    return %c0_i32, %c0_i32_0 : i32, i32
  }
  func.func @transform_12(%arg0: i32) -> (i32, i32) {
    %c0_i32 = arith.constant 0 : i32
    %c0_i32_0 = arith.constant 0 : i32
    %c0_i32_1 = arith.constant 0 : i32
    return %c0_i32, %c0_i32_0 : i32, i32
  }
  func.func @transform_13(%arg0: i32) -> (i32, i32) {
    %c0_i32 = arith.constant 0 : i32
    %c0_i32_0 = arith.constant 0 : i32
    %c0_i32_1 = arith.constant 0 : i32
    return %c0_i32, %c0_i32_0 : i32, i32
  }
  func.func @transform_14(%arg0: i32) -> (i32, i32) {
    %c0_i32 = arith.constant 0 : i32
    %c0_i32_0 = arith.constant 0 : i32
    %c0_i32_1 = arith.constant 0 : i32
    return %c0_i32, %c0_i32_0 : i32, i32
  }
  func.func @transform_16(%arg0: i32) -> (i32, i32) {
    %c0_i32 = arith.constant 0 : i32
    %c0_i32_0 = arith.constant 0 : i32
    %c0_i32_1 = arith.constant 0 : i32
    return %c0_i32, %c0_i32_0 : i32, i32
  }
}

</mosaic_0001>

<sc_bundles>
// kernel: kernel.5.cloned.1.call-start
scs
__scs_entry_jumppad:
0x0: {  	(pc) =	sbr.rel $0x88, $3  }
0x1: {  	(tag) =	ssettag $0x0;
	lr =	simm.s32 $0x1  }
0x2: {  	[smem:$0x3F93] =	sst lr;
	_ =	strace $0xD0000000  }
0x3: {  	_ = 	snop  }
0x4: {  	_ = 	snop  }
0x5: {  	_ = 	snop  }
0x6: {  	_ = 	snop  }
0x7: {  	_ = 	snop  }
__scs_overlays_trampoline_lowered:
0x8: {  	[smem:$0x3FA2] =	sst s0  }
0x9: {  	[smem:$0x3FA3] =	sst s1  }
0xa: {  	[smem:$0x3FA4] =	sst s2  }
0xb: {  	[smem:$0x3FA5] =	sst s3  }
0xc: {  	[smem:$0x3FA6] =	sst s4  }
0xd: {  	[smem:$0x3FA7] =	sst s5  }
0xe: {  	[smem:$0x3FA8] =	sst s6  }
0xf: {  	[smem:$0x3FA9] =	sst s7  }
0x10: {  	[smem:$0x3FAA] =	sst s8  }
0x11: {  	[smem:$0x3FAB] =	sst s9;
	s0 =	simm.s32 @!p0 $0x0  }
0x12: {  	s1 =	sld [smem:$0x3F91];
	s0 =	simm.s32 @p0 $0x1  }
0x13: {  	[smem:$0x3FAC] =	sst s0;
	s0 =	simm.s32 @!p1 $0x0  }
0x14: {  	s2 =	sld [smem:$0x3F90];
	s0 =	simm.s32 @p1 $0x1  }
0x15: {  	[smem:$0x3FAD] =	sst s0;
	s0 =	simm.s32 @!p2 $0x0  }
0x16: {  	s3 =	sld [smem:$0x3FDB];
	s0 =	simm.s32 @p2 $0x1  }
0x17: {  	s4 =	simm.s32 $0x1BF5;
	[smem:$0x3FAF] =	sst s0  }
0x18: {  	s0 =	sld [smem:$0x3F92];
	_ =	swait.ge [sflag:s4], $0x0  }
0x19: {  	s7 =	sld [smem:$0x3F93]  }
0x1a: {  	s8 =	sadd.s32 $0xFFFFE003, lr  }
0x1b: {  	s9 =	sadd.s32 $0xFFFFFEF7, lr;
	s5 =	simm.s32 $0xFFFFFFFF;
	p2 =	slt.u32 s8, $0xFFFFF086  }
0x1c: {  	p1 =	slt.u32 s9, $0xF7A;
	s5 =	simm.s32 @!p2 $0x0  }
0x1d: {  	s5 =	simm.s32 @p1 $0x1;
	p0 =	seq.s32 s7, s2  }
0x1e: {  	s7 =	smul.u32 @!p0 $0xF7A, s2;
	p2 =	seq.s32 @!p0 s5, $0x0  }
0x1f: {  	s9 =	smul.u32 $0xF7A, s1;
	s8 =	simm.s32 @!p0 $0x1BF5;
	p2 =	por !p2, p0  }
0x20: {  	[sflag:s8] =	ssyncset.s32 @!p0 $0xFFFFF086;
	s6 =	sadd.s32 @!p0 s3, s7;
	s7 =	simm.s32 @!p0 $0x108  }
0x21: {  	s3 =	sadd.s32 s3, s9;
	s6 =	sadd.s32 @!p0 $0x88, s6;
	s7 =	simm.s32 @p2 $0x1082  }
0x22: {  	[simem:s7], [sflag:s8] =	dma.local @!p0 [hbm:s6], $0xF7A  }
0x23: {  	s9 =	sor.u32 $0xD0000000, s2;
	s6 =	simm.s32 $0x108;
	_ =	swait.ge @!p0 [sflag:s8], $0x0  }
0x24: {  	s3 =	sadd.s32 $0x88, s3;
	s6 =	simm.s32 @!p1 $0x1082;
	[sflag:s4] =	ssyncset.s32 $0xFFFFF086  }
0x25: {  	[simem:s6], [sflag:s4] =	dma.local [hbm:s3], $0xF7A  }
0x26: {  	[smem:$0x3F93] =	sst s1;
	(tag) =	ssettag s2;
	_ =	strace s9  }
0x27: {  	s1 =	sld [smem:$0x3FA3]  }
0x28: {  	s2 =	sld [smem:$0x3FA4]  }
0x29: {  	s4 =	sld [smem:$0x3FA6]  }
0x2a: {  	p0 =	seq.s32 s5, $0x0;
	s5 =	sld [smem:$0x3FA7]  }
0x2b: {  	s6 =	sld [smem:$0x3FA8]  }
0x2c: {  	s7 =	sld [smem:$0x3FA9]  }
0x2d: {  	s3 =	simm.s32 $0x108;
	s8 =	sld [smem:$0x3FAA]  }
0x2e: {  	s3 =	simm.s32 @!p0 $0x1082;
	s9 =	sld [smem:$0x3FAB]  }
0x2f: {  	lr =	sadd.s32 s0, s3;
	s0 =	sld [smem:$0x3FA2]  }
0x30: {  	s3 =	sld [smem:$0x3FA5]  }
0x31: {  	[smem:$0x3FAE] =	sst s10  }
0x32: {  	s10 =	sld [smem:$0x3FAC];
	_ =	sdelay $0x3  }
0x33: {  	p0 =	seq.s32 s10, $0x1;
	s10 =	sld [smem:$0x3FAE];
	_ =	sdelay $0x3  }
0x34: {  	[smem:$0x3FAE] =	sst s10  }
0x35: {  	s10 =	sld [smem:$0x3FAD];
	_ =	sdelay $0x3  }
0x36: {  	p1 =	seq.s32 s10, $0x1;
	s10 =	sld [smem:$0x3FAE];
	_ =	sdelay $0x3  }
0x37: {  	[smem:$0x3FAE] =	sst s10  }
0x38: {  	s10 =	sld [smem:$0x3FAF]  }
0x39: {  	_ = 	snop;
	(pc) =	sbr.ind lr, $3  }
0x3a: {  	_ = 	snop  }
0x3b: {  	_ = 	snop  }
0x3c: {  	p2 =	seq.s32 s10, $0x1;
	s10 =	sld [smem:$0x3FAE]  }
0x3d: {  	_ =	shalt  }
0x3e: {  	_ =	shalt  }
0x3f: {  	_ =	shalt  }
0x40: {  	_ =	shalt  }
0x41: {  	_ =	shalt  }
0x42: {  	_ =	shalt  }
0x43: {  	_ =	shalt  }
0x44: {  	_ =	shalt  }
0x45: {  	_ =	shalt  }
0x46: {  	_ =	shalt  }
0x47: {  	_ =	shalt  }
0x48: {  	_ =	shalt  }
0x49: {  	_ =	shalt  }
0x4a: {  	_ =	shalt  }
0x4b: {  	_ =	shalt  }
0x4c: {  	_ =	shalt  }
0x4d: {  	_ =	shalt  }
0x4e: {  	_ =	shalt  }
0x4f: {  	_ =	shalt  }
0x50: {  	_ =	shalt  }
0x51: {  	_ =	shalt  }
0x52: {  	_ =	shalt  }
0x53: {  	_ =	shalt  }
0x54: {  	_ =	shalt  }
0x55: {  	_ =	shalt  }
0x56: {  	_ =	shalt  }
0x57: {  	_ =	shalt  }
0x58: {  	_ =	shalt  }
0x59: {  	_ =	shalt  }
0x5a: {  	_ =	shalt  }
0x5b: {  	_ =	shalt  }
0x5c: {  	_ =	shalt  }
0x5d: {  	_ =	shalt  }
0x5e: {  	_ =	shalt  }
0x5f: {  	_ =	shalt  }
0x60: {  	_ =	shalt  }
0x61: {  	_ =	shalt  }
0x62: {  	_ =	shalt  }
0x63: {  	_ =	shalt  }
0x64: {  	_ =	shalt  }
0x65: {  	_ =	shalt  }
0x66: {  	_ =	shalt  }
0x67: {  	_ =	shalt  }
0x68: {  	_ =	shalt  }
0x69: {  	_ =	shalt  }
0x6a: {  	_ =	shalt  }
0x6b: {  	_ =	shalt  }
0x6c: {  	_ =	shalt  }
0x6d: {  	_ =	shalt  }
0x6e: {  	_ =	shalt  }
0x6f: {  	_ =	shalt  }
0x70: {  	_ =	shalt  }
0x71: {  	_ =	shalt  }
0x72: {  	_ =	shalt  }
0x73: {  	_ =	shalt  }
0x74: {  	_ =	shalt  }
0x75: {  	_ =	shalt  }
0x76: {  	_ =	shalt  }
0x77: {  	_ =	shalt  }
0x78: {  	_ =	shalt  }
0x79: {  	_ =	shalt  }
0x7a: {  	_ =	shalt  }
0x7b: {  	_ =	shalt  }
0x7c: {  	_ =	shalt  }
0x7d: {  	_ =	shalt  }
0x7e: {  	_ =	shalt  }
0x7f: {  	_ =	shalt  }
0x80: {  	_ =	shalt  }
0x81: {  	_ =	shalt  }
0x82: {  	_ =	shalt  }
0x83: {  	_ =	shalt  }
0x84: {  	_ =	shalt  }
0x85: {  	_ =	shalt  }
0x86: {  	_ =	shalt  }
0x87: {  	_ =	shalt  }
.Lfunc_end0:
.L_simem_size_0:
called_computation_lowered:
.L_overlay_start_0:
0x88: {  	s2 =	sld [smem:$0x3FD9]  }
0x89: {  	s3 =	sld [smem:$0x3FFE];
	_ =	sdelay $0x1  }
0x8a: {  	s1 =	srdreg.scid  }
0x8b: {  	s0 =	sand.u32 $0x1, s1  }
0x8c: {  	s17 =	sshll.u32 s0, $0xA;
	s2 =	sadd.s32 s3, s2  }
0x8d: {  	s2 =	sadd.s32 s2, s17  }
0x8e: {  	[smem:$0x3FBA] =	sst s2  }
0x8f: {  	_ = 	snop  }
0x90: {  	s2 =	sld [smem:$0x3FD0];
	(tm) =	ssettm $0x1  }
0x91: {  	s18 =	sld [smem:$0x3FFB];
	_ =	sdelay $0x3  }
0x92: {  	_ =	strace s18  }
0x93: {  	s3 =	sld [smem:$0x3FFC];
	_ =	sdelay $0x3  }
0x94: {  	_ =	strace s3  }
0x95: {  	s3 =	sld [smem:$0x3FFD];
	_ =	sdelay $0x3  }
0x96: {  	_ =	strace s3  }
0x97: {  	_ =	strace $0x8FFFFFFF  }
0x98: {  	s19 =	sld [smem:$0x3FDB];
	_ =	sdelay $0x1  }
0x99: {  	s4 =	simm.s32 $_scs_section_size  }
0x9a: {  	s5 =	simm.s32 $_size__tile_overlayer_lowered;
	s6 =	simm.s32 $_tile_overlayer_lowered  }
0x9b: {  	s22 =	simm.s32 $0x1BFF;
	s21 =	sshll.u32 s6, $0x1;
	s3 =	sadd.s32 s4, s19  }
0x9c: {  	s7 =	simm.s32 $0x0;
	s20 =	sshll.u32 s5, $0x1;
	s5 =	sadd.s32 s21, s3  }
0x9d: {  	[timem:s7], [sflag:s22] =	dma.local [hbm:s5], s20  }
0x9e: {  	_ =	swait.ge [sflag:s22], s20  }
0x9f: {  	s4 =	ssub.s32 $0x0, s20;
	[sflag:s22] =	ssyncset.done $0x0  }
0xa0: {  	[sflag:s22] =	ssyncadd.s32 s4;
	_ =	sdelay $0x1  }
0xa1: {  	s23 =	simm.s32 $0x1B8B  }
0xa2: {  	_ =	swait.ge [sflag:s23], $0x1  }
0xa3: {  	[sflag:s23] =	ssyncset.done $0x0  }
0xa4: {  	s25 =	simm.s32 $0x1B8E;
	s24 =	sld [smem:$0x3FFE];
	[sflag:s23] =	ssyncadd.s32 $0xFFFFFFFF  }
0xa5: {  	s26 =	simm.s32 $execute0_lowered;
	[smem:$0x3FD2] =	sst s25  }
0xa6: {  	s5 =	sshll.u32 s26, $0x1;
	_ =	strace $0x80000046;
	[dreg:$0x1] =	wrdreg $0xFFFFFFFF  }
0xa7: {  	s28 =	simm.s32 $_size_execute0_lowered;
	s3 =	sadd.s32 s3, s5;
	[dreg:$0x0] =	wrdreg $0x0  }
0xa8: {  	s5 =	sshll.u32 s28, $0x1;
	[dreg:$0x2] =	wrdreg s3  }
0xa9: {  	[dreg:$0x3] =	wrdreg s5  }
0xaa: {  	[dreg:$0x4] =	wrdreg $0xC0  }
0xab: {  	_ =	task [dreg:s7], $0x5FFFF  }
0xac: {  	[dreg:$0x1] =	wrdreg $0xFFFFFFFF  }
0xad: {  	[dreg:$0x0] =	wrdreg $0x60  }
0xae: {  	[dreg:$0x2] =	wrdreg s24  }
0xaf: {  	[dreg:$0x3] =	wrdreg s2  }
0xb0: {  	[dreg:$0x4] =	wrdreg $0x9  }
0xb1: {  	_ =	task.clear_ibuf [dreg:s7], $0x5FFFF;
	_ =	strace $0x90000046  }
0xb2: {  	s29 =	simm.s32 $0x9;
	_ =	strace $0x80000048  }
0xb3: {  	_ =	swait.ge [sflag:s29], $0x1  }
0xb4: {  	[sflag:s29] =	ssyncadd.s32 $0xFFFFFFFF  }
0xb5: {  	_ =	strace $0x90000048  }
0xb6: {  	_ =	sfence  }
0xb7: {  	s30 =	sld [smem:$0x0];
	_ =	sdelay $0x2  }
0xb8: {  	s31 =	sshll.u32 s1, $0xD;
	s1 =	sshrl.u32 s1, $0x2  }
0xb9: {  	s3 =	sand.u32 $0x4000, s31;
	s1 =	sadd.s32 s1, s30  }
0xba: {  	s0 =	sor.u32 s3, s0;
	s1 =	sshll.u32 s1, $0x11  }
0xbb: {  	s0 =	sor.u32 s1, s0  }
0xbc: {  	s0 =	sadd.s32 $0x8F2B, s0  }
0xbd: {  	[sflag:s0] =	ssyncadd.remote.s32 $0x1  }
0xbe: {  	_ =	sfence.sel $0xFFFF  }
0xbf: {  	[dreg:$0x0] =	wrdreg $0xFFFFFFFF;
	(pc) =	sbr.abs _section_cstart, $3  }
0xc0: {  	[dreg:$0x1] =	wrdreg $0xFFFFFFFF  }
0xc1: {  	_ =	task.clear_ibuf [dreg:s7], $0x2FFFF;
	_ =	strace $0x9FFFFFFF  }
0xc2: {  	(tm) =	ssettm $0x7FFFFFFF  }
0xc3: {  	_ =	shalt  }
tec
execute0_lowered:
.L_overlay_start_1:
0x0: {  	(tag) =	ssettag $0x1  }
0x1: {  	s3 =	rddreg [dreg:$0x0]  }
0x2: {  	s4 =	rddreg [dreg:$0x1];
	s2 =	srdreg.scid  }
0x3: {  	s0 =	rddreg [dreg:$0x2];
	s1 =	stileid.u32;
	s5 =	sand.u32 $0x1, s2  }
0x4: {  	s2 =	simm.s32 $0x0;
	s6 =	sshll.u32 s1, $0x6;
	s7 =	sshll.u32 s5, $0x5  }
0x5: {  	[smem:$0x7FF] =	sst s2;
	s5 =	ssub.s32 $0x2, s5;
	s6 =	sor.u32 s7, s6  }
0x6: {  	_ =	strace $0x80000047;
	s8 =	sshrl.u32 s5, $0x1;
	s7 =	sshll.u32 s6, $0x5  }
0x7: {  	s5 =	ssub.s32 s5, s8;
	s6 =	sshll.u32 s6, $0x6;
	s8 =	simm.s32 $0x0  }
0x8: {  	s3 =	sadd.s32 s7, s3;
	s4 =	sadd.s32 s4, s6;
	s5 =	smax.u32 s5, $0x1  }
0x9: {  	v0 =	vimm.f32 $0.0e+00;
	v1 =	vimm.f32 $1.000000000e+00;
	s6 =	simm.s32 $0x1;
	s7 =	simm.s32 $0x2000;
	s3 =	sadd.s32 $0x1400, s3  }
.LBB2_1:
0xa: {  	[tilespmem:s2], [sflag:$0x1] =	stream.linear.gather [hbm4b:s3+s2], $0x2000, $0x38;
	[tilespmem:$0x6000] =	vst v63  }
0xb: {  	_ =	swait.ge [sflag:s6], $0x2000  }
0xc: {  	[sflag:s6] =	ssyncset.done $0x0  }
0xd: {  	s9 =	simm.s32 $0x0;
	s10 =	simm.s32 $0x800;
	[sflag:s6] =	ssyncadd.s32 $0xFFFFE000  }
.LBB2_2:
0xe: {  	p0 =	sne.s32 s10, $0xF800;
	[tilespmem:s9+$0x21F0] =	vst v0  }
0xf: {  	[tilespmem:s9+$0x2000] =	vst v0  }
0x10: {  	[tilespmem:s9+$0x2010] =	vst v0  }
0x11: {  	[tilespmem:s9+$0x2020] =	vst v0  }
0x12: {  	[tilespmem:s9+$0x2030] =	vst v0  }
0x13: {  	[tilespmem:s9+$0x2040] =	vst v0  }
0x14: {  	[tilespmem:s9+$0x2050] =	vst v0  }
0x15: {  	[tilespmem:s9+$0x2060] =	vst v0  }
0x16: {  	[tilespmem:s9+$0x2070] =	vst v0  }
0x17: {  	[tilespmem:s9+$0x2080] =	vst v0  }
0x18: {  	[tilespmem:s9+$0x2090] =	vst v0  }
0x19: {  	[tilespmem:s9+$0x20A0] =	vst v0  }
0x1a: {  	[tilespmem:s9+$0x20B0] =	vst v0  }
0x1b: {  	[tilespmem:s9+$0x20C0] =	vst v0  }
0x1c: {  	[tilespmem:s9+$0x20D0] =	vst v0  }
0x1d: {  	[tilespmem:s9+$0x20E0] =	vst v0  }
0x1e: {  	[tilespmem:s9+$0x20F0] =	vst v0  }
0x1f: {  	[tilespmem:s9+$0x2100] =	vst v0  }
0x20: {  	[tilespmem:s9+$0x2110] =	vst v0  }
0x21: {  	[tilespmem:s9+$0x2120] =	vst v0  }
0x22: {  	[tilespmem:s9+$0x2130] =	vst v0  }
0x23: {  	[tilespmem:s9+$0x2140] =	vst v0  }
0x24: {  	[tilespmem:s9+$0x2150] =	vst v0  }
0x25: {  	[tilespmem:s9+$0x2160] =	vst v0  }
0x26: {  	[tilespmem:s9+$0x2170] =	vst v0  }
0x27: {  	[tilespmem:s9+$0x2180] =	vst v0  }
0x28: {  	[tilespmem:s9+$0x2190] =	vst v0  }
.Ltmp0:
0x29: {  	[tilespmem:s9+$0x21A0] =	vst v0;
	(pc) =	sbr.rel @p0 .LBB2_2-.Ltmp0, $4  }
0x2a: {  	[tilespmem:s9+$0x21B0] =	vst v0  }
0x2b: {  	[tilespmem:s9+$0x21C0] =	vst v0  }
0x2c: {  	[tilespmem:s9+$0x21D0] =	vst v0  }
0x2d: {  	[tilespmem:s9+$0x21E0] =	vst v0;
	s9 =	sshra.s32 s10, $0x2;
	s10 =	sadd.s32 $0x800, s10  }
0x2e: {  	[tilespmem:s9+$0x21F0] =	vst v0  }
0x2f: {  	[tilespmem:s9+$0x2000] =	vst v0  }
0x30: {  	[tilespmem:s9+$0x2010] =	vst v0  }
0x31: {  	[tilespmem:s9+$0x2020] =	vst v0  }
0x32: {  	[tilespmem:s9+$0x2030] =	vst v0  }
0x33: {  	[tilespmem:s9+$0x2040] =	vst v0  }
0x34: {  	[tilespmem:s9+$0x2050] =	vst v0  }
0x35: {  	[tilespmem:s9+$0x2060] =	vst v0  }
0x36: {  	[tilespmem:s9+$0x2070] =	vst v0  }
0x37: {  	[tilespmem:s9+$0x2080] =	vst v0  }
0x38: {  	[tilespmem:s9+$0x2090] =	vst v0  }
0x39: {  	[tilespmem:s9+$0x20A0] =	vst v0  }
0x3a: {  	[tilespmem:s9+$0x20B0] =	vst v0  }
0x3b: {  	[tilespmem:s9+$0x20C0] =	vst v0  }
0x3c: {  	[tilespmem:s9+$0x20D0] =	vst v0  }
0x3d: {  	[tilespmem:s9+$0x20E0] =	vst v0  }
0x3e: {  	[tilespmem:s9+$0x20F0] =	vst v0  }
0x3f: {  	[tilespmem:s9+$0x2100] =	vst v0  }
0x40: {  	[tilespmem:s9+$0x2110] =	vst v0  }
0x41: {  	[tilespmem:s9+$0x2120] =	vst v0  }
0x42: {  	[tilespmem:s9+$0x2130] =	vst v0  }
0x43: {  	[tilespmem:s9+$0x2140] =	vst v0  }
0x44: {  	[tilespmem:s9+$0x2150] =	vst v0  }
0x45: {  	[tilespmem:s9+$0x2160] =	vst v0  }
0x46: {  	[tilespmem:s9+$0x2170] =	vst v0  }
0x47: {  	[tilespmem:s9+$0x2180] =	vst v0  }
0x48: {  	[tilespmem:s9+$0x2190] =	vst v0  }
0x49: {  	[tilespmem:s9+$0x21A0] =	vst v0  }
0x4a: {  	[tilespmem:s9+$0x21B0] =	vst v0  }
0x4b: {  	[tilespmem:s9+$0x21C0] =	vst v0  }
0x4c: {  	[tilespmem:s9+$0x21D0] =	vst v0  }
0x4d: {  	[tilespmem:s9+$0x21E0] =	vst v0;
	s9 =	simm.s32 $0x0;
	s10 =	simm.s32 $0x80  }
.LBB2_4:
0x4e: {  	v2 =	vld [tilespmem:s10+$0xFFFFFF80];
	_ =	sdelay $0x4  }
0x4f: {  	s11 =	sshll.u32 s9, $0x9;
	v3 =	vand.u32 $0xFFFFFFF8, v2  }
0x50: {  	v2 =	vand.u32 $0x7, v2;
	v3 =	vadd.s32 s11, v3  }
0x51: {  	v2 =	vor.u32 v2, v3;
	_ =	sdelay $0x4  }
0x52: {  	[tilespmem:v2+s7+$0x0] =	vst.idx.add.f32.msk $0xffff, v1  }
0x53: {  	v2 =	vld [tilespmem:s10+$0xFFFFFF90];
	_ =	sdelay $0x4  }
0x54: {  	v3 =	vand.u32 $0xFFFFFFF8, v2  }
0x55: {  	v2 =	vand.u32 $0x7, v2;
	v3 =	vadd.s32 s11, v3  }
0x56: {  	v2 =	vor.u32 v2, v3;
	_ =	sdelay $0x4  }
0x57: {  	[tilespmem:v2+s7+$0x0] =	vst.idx.add.f32.msk $0xffff, v1  }
0x58: {  	v2 =	vld [tilespmem:s10+$0xFFFFFFA0];
	_ =	sdelay $0x4  }
0x59: {  	v3 =	vand.u32 $0xFFFFFFF8, v2  }
0x5a: {  	v2 =	vand.u32 $0x7, v2;
	v3 =	vadd.s32 s11, v3  }
0x5b: {  	v2 =	vor.u32 v2, v3;
	_ =	sdelay $0x4  }
0x5c: {  	[tilespmem:v2+s7+$0x0] =	vst.idx.add.f32.msk $0xffff, v1  }
0x5d: {  	v2 =	vld [tilespmem:s10+$0xFFFFFFB0];
	_ =	sdelay $0x4  }
0x5e: {  	v3 =	vand.u32 $0xFFFFFFF8, v2  }
0x5f: {  	v2 =	vand.u32 $0x7, v2;
	v3 =	vadd.s32 s11, v3  }
0x60: {  	v2 =	vor.u32 v2, v3;
	_ =	sdelay $0x4  }
0x61: {  	[tilespmem:v2+s7+$0x0] =	vst.idx.add.f32.msk $0xffff, v1  }
0x62: {  	v2 =	vld [tilespmem:s10+$0xFFFFFFC0];
	_ =	sdelay $0x4  }
0x63: {  	v3 =	vand.u32 $0xFFFFFFF8, v2  }
0x64: {  	v2 =	vand.u32 $0x7, v2;
	v3 =	vadd.s32 s11, v3  }
0x65: {  	v2 =	vor.u32 v2, v3;
	_ =	sdelay $0x4  }
0x66: {  	[tilespmem:v2+s7+$0x0] =	vst.idx.add.f32.msk $0xffff, v1  }
0x67: {  	v2 =	vld [tilespmem:s10+$0xFFFFFFD0];
	_ =	sdelay $0x4  }
0x68: {  	v3 =	vand.u32 $0xFFFFFFF8, v2  }
0x69: {  	v2 =	vand.u32 $0x7, v2;
	v3 =	vadd.s32 s11, v3  }
0x6a: {  	v2 =	vor.u32 v2, v3;
	_ =	sdelay $0x4  }
0x6b: {  	[tilespmem:v2+s7+$0x0] =	vst.idx.add.f32.msk $0xffff, v1  }
0x6c: {  	v2 =	vld [tilespmem:s10+$0xFFFFFFE0];
	_ =	sdelay $0x4  }
0x6d: {  	v3 =	vand.u32 $0xFFFFFFF8, v2  }
0x6e: {  	v2 =	vand.u32 $0x7, v2;
	v3 =	vadd.s32 s11, v3  }
0x6f: {  	v2 =	vor.u32 v2, v3;
	_ =	sdelay $0x4  }
0x70: {  	[tilespmem:v2+s7+$0x0] =	vst.idx.add.f32.msk $0xffff, v1  }
0x71: {  	v2 =	vld [tilespmem:s10+$0xFFFFFFF0];
	_ =	sdelay $0x4  }
0x72: {  	v3 =	vand.u32 $0xFFFFFFF8, v2  }
0x73: {  	v2 =	vand.u32 $0x7, v2;
	v3 =	vadd.s32 s11, v3  }
0x74: {  	v2 =	vor.u32 v2, v3;
	_ =	sdelay $0x4  }
0x75: {  	[tilespmem:v2+s7+$0x0] =	vst.idx.add.f32.msk $0xffff, v1  }
0x76: {  	v2 =	vld [tilespmem:s10+$0x0];
	_ =	sdelay $0x4  }
0x77: {  	v3 =	vand.u32 $0xFFFFFFF8, v2  }
0x78: {  	v2 =	vand.u32 $0x7, v2;
	v3 =	vadd.s32 s11, v3  }
0x79: {  	v2 =	vor.u32 v2, v3;
	_ =	sdelay $0x4  }
0x7a: {  	[tilespmem:v2+s7+$0x0] =	vst.idx.add.f32.msk $0xffff, v1  }
0x7b: {  	v2 =	vld [tilespmem:s10+$0x10];
	_ =	sdelay $0x4  }
0x7c: {  	v3 =	vand.u32 $0xFFFFFFF8, v2  }
0x7d: {  	v2 =	vand.u32 $0x7, v2;
	v3 =	vadd.s32 s11, v3  }
0x7e: {  	v2 =	vor.u32 v2, v3;
	_ =	sdelay $0x4  }
0x7f: {  	[tilespmem:v2+s7+$0x0] =	vst.idx.add.f32.msk $0xffff, v1  }
0x80: {  	v2 =	vld [tilespmem:s10+$0x20];
	_ =	sdelay $0x4  }
0x81: {  	v3 =	vand.u32 $0xFFFFFFF8, v2  }
0x82: {  	v2 =	vand.u32 $0x7, v2;
	v3 =	vadd.s32 s11, v3  }
0x83: {  	v2 =	vor.u32 v2, v3;
	_ =	sdelay $0x4  }
0x84: {  	[tilespmem:v2+s7+$0x0] =	vst.idx.add.f32.msk $0xffff, v1  }
0x85: {  	v2 =	vld [tilespmem:s10+$0x30];
	_ =	sdelay $0x4  }
0x86: {  	v3 =	vand.u32 $0xFFFFFFF8, v2  }
0x87: {  	v2 =	vand.u32 $0x7, v2;
	v3 =	vadd.s32 s11, v3  }
0x88: {  	v2 =	vor.u32 v2, v3;
	_ =	sdelay $0x4  }
0x89: {  	[tilespmem:v2+s7+$0x0] =	vst.idx.add.f32.msk $0xffff, v1  }
0x8a: {  	v2 =	vld [tilespmem:s10+$0x40];
	_ =	sdelay $0x4  }
0x8b: {  	v3 =	vand.u32 $0xFFFFFFF8, v2  }
0x8c: {  	v2 =	vand.u32 $0x7, v2;
	v3 =	vadd.s32 s11, v3  }
0x8d: {  	v2 =	vor.u32 v2, v3;
	_ =	sdelay $0x4  }
0x8e: {  	[tilespmem:v2+s7+$0x0] =	vst.idx.add.f32.msk $0xffff, v1  }
0x8f: {  	v2 =	vld [tilespmem:s10+$0x50];
	_ =	sdelay $0x4  }
0x90: {  	v3 =	vand.u32 $0xFFFFFFF8, v2  }
0x91: {  	v2 =	vand.u32 $0x7, v2;
	v3 =	vadd.s32 s11, v3  }
0x92: {  	v2 =	vor.u32 v2, v3;
	_ =	sdelay $0x4  }
0x93: {  	[tilespmem:v2+s7+$0x0] =	vst.idx.add.f32.msk $0xffff, v1  }
0x94: {  	v2 =	vld [tilespmem:s10+$0x60];
	_ =	sdelay $0x4  }
0x95: {  	v3 =	vand.u32 $0xFFFFFFF8, v2  }
0x96: {  	v2 =	vand.u32 $0x7, v2;
	v3 =	vadd.s32 s11, v3  }
0x97: {  	v2 =	vor.u32 v2, v3;
	_ =	sdelay $0x4  }
0x98: {  	[tilespmem:v2+s7+$0x0] =	vst.idx.add.f32.msk $0xffff, v1  }
0x99: {  	v2 =	vld [tilespmem:s10+$0x70];
	_ =	sdelay $0x4  }
0x9a: {  	v3 =	vand.u32 $0xFFFFFFF8, v2  }
0x9b: {  	v2 =	vand.u32 $0x7, v2;
	v3 =	vadd.s32 s11, v3  }
0x9c: {  	p0 =	sne.s32 s9, $0x1F;
	v2 =	vor.u32 v2, v3  }
.Ltmp1:
0x9d: {  	_ = 	snop;
	(pc) =	sbr.rel @p0 .LBB2_4-.Ltmp1, $2  }
0x9e: {  	_ =	sdelay $0x2  }
0x9f: {  	s9 =	sadd.s32 $0x1, s9;
	s10 =	sadd.s32 $0x100, s10;
	[tilespmem:v2+s7+$0x0] =	vst.idx.add.f32.msk $0xffff, v1  }
0xa0: {  	s8 =	sadd.s32 $0x1, s8  }
0xa1: {  	p0 =	sne.s32 s8, s5  }
.Ltmp2:
0xa2: {  	_ = 	snop;
	(pc) =	sbr.rel @p0 .LBB2_1-.Ltmp2, $4  }
0xa3: {  	[hbm4b:s4+s2] =	stream.linear.scatter [tilespmem:s7], [sflag:$0x1], $0x4000, $0x38;
	[tilespmem:$0x6000] =	vst v63  }
0xa4: {  	_ =	swait.ge [sflag:s6], $0x4000  }
0xa5: {  	[sflag:s6] =	ssyncset.done $0x0  }
0xa6: {  	[sflag:s6] =	ssyncadd.s32 $0xFFFFC000  }
0xa7: {  	_ =	sfence.sel $0x180000  }
0xa8: {  	[bflag:$0x0] =	sbarrier.arrive $0xFFFF  }
0xa9: {  	p0 =	sne.s32 s1, $0x0;
	_ =	strace $0x90000047  }
0xaa: {  	s0 =	sadd.s32 @!p0 $0x100000, s0;
	[bflag:$0x2] =	sbarrier.arrive $0xFFFF  }
0xab: {  	[sflag:s0] =	ssyncadd.tile.s32 @!p0 $0x1;
	_ =	shalt  }
.Lfunc_end2:
_tile_overlayer_lowered:
.L_overlay_start_2:
0xac: {  	(tag) =	ssettag $0x2  }
0xad: {  	s0 =	rddreg [dreg:$0x0];
	s2 =	stileid.u32  }
0xae: {  	s1 =	rddreg [dreg:$0x1];
	p0 =	sne.s32 s2, $0x0  }
0xaf: {  	s3 =	rddreg [dreg:$0x2];
	[bflag:$0x3] =	sbarrier.arrive $0xFFFF;
	s2 =	simm.s32 @!p0 $0x1C01  }
0xb0: {  	[timem:s3], [sflag:s2] =	dma.local @!p0 [hbm:s0], s1  }
0xb1: {  	s0 =	simm.s32 @!p0 $0x1  }
0xb2: {  	_ =	swait.ge @!p0 [sflag:s0], s1  }
0xb3: {  	s1 =	ssub.s32 @!p0 $0x0, s1;
	[sflag:s0] =	ssyncset.done @!p0 $0x0  }
0xb4: {  	[sflag:s0] =	ssyncadd.s32 @!p0 s1  }
0xb5: {  	[bflag:$0x3] =	sbarrier.arrive $0xFFFF  }
0xb6: {  	_ =	shalt  }

</sc_bundles>
